<compile_context>
chip_gen: v7x
topology: tpu7x:2x2x1
jax: 0.10.2.dev20260603
libtpu: 0.0.44.dev20260713+nightly
codegen_flags: <defaults>
</compile_context>

<pallas_src>
import functools

import jax
import jax.numpy as jnp
from jax import lax
from jax.experimental import pallas as pl
from jax.experimental.pallas import tpu as pltpu
from jax.experimental.pallas import tpu_sc as plsc

N = 10000
E = 320000
D = 128

NC = 2
NS = 16
NW = NC * NS

K = 128
KH = K // 2
STEPS = 80
HALF = STEPS // 2
E_PAD = NW * STEPS * K
DUMMY = N

DEG_ACC = 10240
DEG_SLAB = DEG_ACC // NS
MSG_ACC = 10112
MSG_SLAB = MSG_ACC // NS


def _mesh():
    return plsc.VectorSubcoreMesh(
        core_axis_name="c", subcore_axis_name="s", num_cores=NC, num_subcores=NS)


def _deg_body(dst_hbm, zero_hbm, out_hbm, dstv, onesv, dacc, sem):
    c = lax.axis_index("c")
    s = lax.axis_index("s")
    w = c * NS + s
    pltpu.sync_copy(dst_hbm.at[w], dstv)
    for i in range(K // 16):
        onesv[pl.ds(i * 16, 16)] = jnp.ones((16,), jnp.float32)
    pltpu.sync_copy(zero_hbm.at[pl.ds(s * DEG_SLAB, DEG_SLAB)],
                    dacc.at[pl.ds(s * DEG_SLAB, DEG_SLAB)])
    plsc.subcore_barrier()

    def step(j, carry):
        pltpu.sync_copy(onesv, dacc.at[dstv.at[j]], add=True)
        return carry

    lax.fori_loop(0, STEPS, step, 0)
    plsc.subcore_barrier()
    pltpu.sync_copy(dacc.at[pl.ds(s * DEG_SLAB, DEG_SLAB)],
                    out_hbm.at[pl.ds(c * DEG_ACC + s * DEG_SLAB, DEG_SLAB)])


def _deg_call(dstp, zeros1):
    return pl.kernel(
        _deg_body,
        out_type=jax.ShapeDtypeStruct((NC * DEG_ACC,), jnp.float32),
        mesh=_mesh(),
        scratch_types=[
            pltpu.VMEM((STEPS, K), jnp.int32),
            pltpu.VMEM((K,), jnp.float32),
            pltpu.VMEM_SHARED((DEG_ACC,), jnp.float32),
            pltpu.SemaphoreType.DMA,
        ],
    )(dstp, zeros1)


CHUNKS = E_PAD // K
C0 = 768
Q0 = C0 // NS
Q1 = (CHUNKS - C0) // NS
QH = 64


def _msg_body(g_hbm, src_hbm, dst_hbm, zero_hbm, out_hbm,
              srcv, dstv, bufA, bufB, sacc, gsem):
    c = lax.axis_index("c")
    s = lax.axis_index("s")
    pltpu.sync_copy(zero_hbm.at[pl.ds(s * MSG_SLAB, MSG_SLAB)],
                    sacc.at[pl.ds(s * MSG_SLAB, MSG_SLAB)])
    plsc.subcore_barrier()

    def fire_g(j, buf):
        pltpu.async_copy(g_hbm.at[srcv.at[j, pl.ds(0, KH)]],
                         buf.at[pl.ds(0, KH)], gsem)
        pltpu.async_copy(g_hbm.at[srcv.at[j, pl.ds(KH, KH)]],
                         buf.at[pl.ds(KH, KH)], gsem)

    def scat(j, buf):
        pltpu.sync_copy(buf, sacc.at[dstv.at[j]], add=True)

    def drain():
        pltpu.make_async_copy(g_hbm.at[pl.ds(0, KH)],
                              bufA.at[pl.ds(0, KH)], gsem).wait()
        pltpu.make_async_copy(g_hbm.at[pl.ds(0, KH)],
                              bufA.at[pl.ds(0, KH)], gsem).wait()

    def run(tile_base, qh, outer_n, phases):
        for p in range(phases):
            pltpu.sync_copy(src_hbm.at[pl.ds(tile_base + p * qh, qh)],
                            srcv.at[pl.ds(0, qh)])
            pltpu.sync_copy(dst_hbm.at[pl.ds(tile_base + p * qh, qh)],
                            dstv.at[pl.ds(0, qh)])
            fire_g(0, bufA)

            def outer(i, carry):
                a = 2 * i
                b_ = 2 * i + 1
                drain()
                fire_g(b_, bufB)
                scat(a, bufA)
                drain()

                @pl.when(i < outer_n - 1)
                def _():
                    fire_g(a + 2, bufA)

                scat(b_, bufB)
                return carry

            lax.fori_loop(0, outer_n, outer, 0)

    @pl.when(c == 0)
    def _():
        run(s * Q0, Q0, Q0 // 2, 1)

    @pl.when(c == 1)
    def _():
        run(C0 + s * Q1, Q1 // 2, Q1 // 4, 2)

    plsc.subcore_barrier()
    pltpu.sync_copy(sacc.at[pl.ds(s * MSG_SLAB, MSG_SLAB)],
                    out_hbm.at[c, pl.ds(s * MSG_SLAB, MSG_SLAB)])


def _msg_call(g, srcp, dstp, zeros2):
    return pl.kernel(
        _msg_body,
        out_type=jax.ShapeDtypeStruct((NC, MSG_ACC, D), jnp.float32),
        mesh=_mesh(),
        scratch_types=[
            pltpu.VMEM((QH, K), jnp.int32),
            pltpu.VMEM((QH, K), jnp.int32),
            pltpu.VMEM((K, D), jnp.float32),
            pltpu.VMEM((K, D), jnp.float32),
            pltpu.VMEM_SHARED((MSG_ACC, D), jnp.float32),
            pltpu.SemaphoreType.DMA,
        ],
    )(g, srcp, dstp, zeros2)


_MM_BM = 2000


def _mm_body(x_ref, w_ref, h_ref):
    h_ref[...] = jnp.dot(x_ref[...], w_ref[...],
                         preferred_element_type=jnp.float32)


def _mm_call(x, W):
    return pl.pallas_call(
        _mm_body,
        grid=(N // _MM_BM,),
        in_specs=[
            pl.BlockSpec((_MM_BM, D), lambda i: (i, 0)),
            pl.BlockSpec((D, D), lambda i: (0, 0)),
        ],
        out_specs=pl.BlockSpec((_MM_BM, D), lambda i: (i, 0)),
        out_shape=jax.ShapeDtypeStruct((N, D), jnp.float32),
    )(x, W)


def _scale_body(deg_ref, h_ref, g_ref):
    d = deg_ref[0] + deg_ref[1] + 1.0
    dinv = lax.rsqrt(d)
    g_ref[...] = h_ref[...] * dinv


def _scale_call(deg_col, h):
    bm = 2000
    return pl.pallas_call(
        _scale_body,
        grid=(N // bm,),
        in_specs=[
            pl.BlockSpec((NC, bm, 1), lambda i: (0, i, 0)),
            pl.BlockSpec((bm, D), lambda i: (i, 0)),
        ],
        out_specs=pl.BlockSpec((bm, D), lambda i: (i, 0)),
        out_shape=jax.ShapeDtypeStruct((N, D), jnp.float32),
    )(deg_col, h)


def _out_body(deg_ref, s_ref, g_ref, b_ref, o_ref):
    d = deg_ref[0] + deg_ref[1] + 1.0
    dinv = lax.rsqrt(d)
    o_ref[...] = dinv * (s_ref[0] + s_ref[1] + g_ref[...]) + b_ref[...]


def _out_call(deg_col, s2, g, b2):
    bm = 2000
    return pl.pallas_call(
        _out_body,
        grid=(N // bm,),
        in_specs=[
            pl.BlockSpec((NC, bm, 1), lambda i: (0, i, 0)),
            pl.BlockSpec((NC, bm, D), lambda i: (0, i, 0)),
            pl.BlockSpec((bm, D), lambda i: (i, 0)),
            pl.BlockSpec((1, D), lambda i: (0, 0)),
        ],
        out_specs=pl.BlockSpec((bm, D), lambda i: (i, 0)),
        out_shape=jax.ShapeDtypeStruct((N, D), jnp.float32),
    )(deg_col, s2, g, b2)


def kernel(x, edge_index, edge_attr, W, b):
    src = edge_index[0].astype(jnp.int32)
    dst = edge_index[1].astype(jnp.int32)
    pad = E_PAD - E
    srcp = jnp.concatenate(
        [src, jnp.zeros((pad,), jnp.int32)]).reshape(NW, STEPS, K)
    dstp = jnp.concatenate(
        [dst, jnp.full((pad,), DUMMY, jnp.int32)]).reshape(NW, STEPS, K)
    srcf = srcp.reshape(CHUNKS, K)
    dstf = dstp.reshape(CHUNKS, K)
    zeros1 = jnp.zeros((DEG_ACC,), jnp.float32)
    zeros2 = jnp.zeros((MSG_ACC, D), jnp.float32)

    deg2 = _deg_call(dstp, zeros1).reshape(NC, DEG_ACC)
    h = _mm_call(x, W)
    deg_col = deg2[:, :N].reshape(NC, N, 1)
    g = _scale_call(deg_col, h)
    s2 = _msg_call(g, srcf, dstf, zeros2)[:, :N, :]
    return _out_call(deg_col, s2, g, b.reshape(1, D))

# --- scband reference (transcript-rebuilt; emitter-appended) ---
"""Pipeline reference for scband-gcnconv-56435870270127 (READ-ONLY COPY).

The authoritative reference and input builder live on the scoring server;
editing this copy changes nothing except your own understanding.
"""

import jax, jax.numpy as jnp
import numpy as np

N_NODES = 10000
N_EDGES = 320000
IN_DIM = 128
OUT_DIM = 128
EDGE_DIM = 16

def setup_inputs(seed: int = 0) -> dict:
    key = jax.random.key(seed)
    k1, k2, k3, k4, k5 = jax.random.split(key, 5)
    x = jax.random.normal(k1, (N_NODES, IN_DIM), dtype=jnp.float32)
    edge_index = jax.random.randint(k2, (2, N_EDGES), 0, N_NODES, dtype=jnp.int64)
    edge_attr = jax.random.normal(k3, (N_EDGES, EDGE_DIM), dtype=jnp.float32)
    # GCNConv parameters: glorot-initialized weight [in_dim, out_dim], zero bias
    limit = float(np.sqrt(6.0 / (IN_DIM + OUT_DIM)))
    W = jax.random.uniform(k4, (IN_DIM, OUT_DIM), dtype=jnp.float32, minval=-limit, maxval=limit)
    b = jnp.zeros((OUT_DIM,), dtype=jnp.float32)
    return {"x": x, "edge_index": edge_index, "edge_attr": edge_attr, "W": W, "b": b}

def reference(x, edge_index, edge_attr, W, b):
    # PyG GCNConv: add self-loops, symmetric normalization, linear transform, aggregate.
    # edge_attr is ignored by the wrapped module's forward.
    N = x.shape[0]
    h = x @ W
    loop = jnp.arange(N, dtype=edge_index.dtype)
    src = jnp.concatenate([edge_index[0], loop])
    dst = jnp.concatenate([edge_index[1], loop])
    # degree computed on destination (col) with unit edge weights
    deg = jnp.zeros((N,), dtype=h.dtype).at[dst].add(1.0)
    deg_inv_sqrt = jnp.where(deg > 0, deg ** -0.5, 0.0)
    norm = deg_inv_sqrt[src] * deg_inv_sqrt[dst]
    msgs = norm[:, None] * h[src]
    out = jnp.zeros((N, h.shape[1]), dtype=h.dtype).at[dst].add(msgs)
    out = out + b
    return out

if __name__ == "__main__":
    import jax
    _d = setup_inputs()
    print(jax.jit(kernel)(*tuple(_d.values())))

</pallas_src>

<mosaic_0001>
#map = affine_map<(d0, d1) -> (0, 0)>
#map1 = affine_map<(d0, d1) -> (0, 0, 0)>
module attributes {stable_mosaic.version = 14 : i64} {
  func.func @_msg_body(%arg0: i32, %arg1: i32, %arg2: memref<10000x128xf32, #tpu.memory_space<hbm>>, %arg3: memref<2560x128xi32, #tpu.memory_space<hbm>>, %arg4: memref<2560x128xi32, #tpu.memory_space<hbm>>, %arg5: memref<10112x128xf32, #tpu.memory_space<hbm>>, %arg6: memref<2x10112x128xf32, #tpu.memory_space<hbm>>, %arg7: memref<64x128xi32, #tpu.memory_space<vmem>>, %arg8: memref<64x128xi32, #tpu.memory_space<vmem>>, %arg9: memref<128x128xf32, #tpu.memory_space<vmem>>, %arg10: memref<128x128xf32, #tpu.memory_space<vmem>>, %arg11: memref<10112x128xf32, #tpu.memory_space<vmem_shared>>, %arg12: memref<!tpu.dma_semaphore, #tpu.memory_space<semaphore_mem>>) attributes {dimension_semantics = [#tpu.dimension_semantics<core_parallel>, #tpu.dimension_semantics<subcore_parallel>], iteration_bounds = array<i64: 2, 16>, scalar_prefetch = 0 : i64, scratch_operands = 6 : i64, tpu.core_type = #tpu.core_type<sc_vector_subcore>, window_params = [{transform_indices = #map}, {transform_indices = #map}, {transform_indices = #map}, {transform_indices = #map}, {transform_indices = #map1}]} {
    %mul3A = arith.constant 632 : i32
    %mul3A_0 = arith.muli %arg1, %mul3A : i32
    %mul3A_1 = arith.constant 632 : i32
    %mul3A_2 = arith.muli %arg1, %mul3A_1 : i32
    "tpu.region"() ({
      %run_scoped3A = tpu.sem_alloc : memref<!tpu.dma_semaphore, #tpu.memory_space<semaphore_mem>>
      %dma_start3A = arith.constant 0 : i32
      %dma_start3A_15 = tpu.memref_slice %arg11[%mul3A_2, %dma_start3A] : memref<10112x128xf32, #tpu.memory_space<vmem_shared>> -> memref<632x128xf32, #tpu.memory_space<vmem_shared>>
      %dma_start3A_16 = arith.constant 0 : i32
      %dma_start3A_17 = tpu.memref_slice %arg5[%mul3A_0, %dma_start3A_16] : memref<10112x128xf32, #tpu.memory_space<hbm>> -> memref<632x128xf32, #tpu.memory_space<hbm>>
      tpu.enqueue_dma source(%dma_start3A_17 : memref<632x128xf32, #tpu.memory_space<hbm>>) target(%dma_start3A_15 : memref<632x128xf32, #tpu.memory_space<vmem_shared>>) target_semaphore(%run_scoped3A : memref<!tpu.dma_semaphore, #tpu.memory_space<semaphore_mem>>)
      %dma_wait3A = arith.constant 0 : i32
      %dma_wait3A_18 = tpu.memref_slice %arg11[%mul3A_2, %dma_wait3A] : memref<10112x128xf32, #tpu.memory_space<vmem_shared>> -> memref<632x128xf32, #tpu.memory_space<vmem_shared>>
      %dma_wait3A_19 = arith.constant 0 : i32
      %dma_wait3A_20 = tpu.memref_slice %arg5[%mul3A_0, %dma_wait3A_19] : memref<10112x128xf32, #tpu.memory_space<hbm>> -> memref<632x128xf32, #tpu.memory_space<hbm>>
      tpu.wait_dma2 semaphore(%run_scoped3A : memref<!tpu.dma_semaphore, #tpu.memory_space<semaphore_mem>>) src(%dma_wait3A_20 : memref<632x128xf32, #tpu.memory_space<hbm>>) dst(%dma_wait3A_18 : memref<632x128xf32, #tpu.memory_space<vmem_shared>>)
      tpu.yield
    }) : () -> ()
    %barrier3A = arith.constant 0 : index
    tpu.barrier barrier_id(%barrier3A)
    %eq3A = arith.constant 0 : i32
    %eq3A_3 = arith.cmpi eq, %arg0, %eq3A : i32
    %convert_element_type3A = arith.extui %eq3A_3 : i1 to i32
    %cond3A = arith.constant 0 : i32
    %cond3A_4 = arith.cmpi ne, %convert_element_type3A, %cond3A : i32
    scf.if %cond3A_4 {
      %mul3A_15 = arith.constant 48 : i32
      %mul3A_16 = arith.muli %arg1, %mul3A_15 : i32
      %add3A = arith.constant 0 : i32
      %add3A_17 = arith.addi %mul3A_16, %add3A : i32
      "tpu.region"() ({
        %run_scoped3A = tpu.sem_alloc : memref<!tpu.dma_semaphore, #tpu.memory_space<semaphore_mem>>
        %dma_start3A_44 = arith.constant 0 : i32
        %dma_start3A_45 = arith.constant 0 : i32
        %dma_start3A_46 = tpu.memref_slice %arg7[%dma_start3A_44, %dma_start3A_45] : memref<64x128xi32, #tpu.memory_space<vmem>> -> memref<48x128xi32, #tpu.memory_space<vmem>>
        %dma_start3A_47 = arith.constant 0 : i32
        %dma_start3A_48 = tpu.memref_slice %arg3[%add3A_17, %dma_start3A_47] : memref<2560x128xi32, #tpu.memory_space<hbm>> -> memref<48x128xi32, #tpu.memory_space<hbm>>
        %dma_start3A_49 = arith.constant 0 : i32
        %dma_start3A_50 = arith.constant 0 : i32
        %dma_start3A_51 = tpu.memref_slice %arg7[%dma_start3A_49, %dma_start3A_50] : memref<64x128xi32, #tpu.memory_space<vmem>> -> memref<48x128xi32, #tpu.memory_space<vmem>>
        %dma_start3A_52 = arith.constant 0 : i32
        %dma_start3A_53 = tpu.memref_slice %arg3[%add3A_17, %dma_start3A_52] : memref<2560x128xi32, #tpu.memory_space<hbm>> -> memref<48x128xi32, #tpu.memory_space<hbm>>
        tpu.enqueue_dma source(%dma_start3A_53 : memref<48x128xi32, #tpu.memory_space<hbm>>) target(%dma_start3A_51 : memref<48x128xi32, #tpu.memory_space<vmem>>) target_semaphore(%run_scoped3A : memref<!tpu.dma_semaphore, #tpu.memory_space<semaphore_mem>>)
        %dma_wait3A = arith.constant 0 : i32
        %dma_wait3A_54 = arith.constant 0 : i32
        %dma_wait3A_55 = tpu.memref_slice %arg7[%dma_wait3A, %dma_wait3A_54] : memref<64x128xi32, #tpu.memory_space<vmem>> -> memref<48x128xi32, #tpu.memory_space<vmem>>
        %dma_wait3A_56 = arith.constant 0 : i32
        %dma_wait3A_57 = tpu.memref_slice %arg3[%add3A_17, %dma_wait3A_56] : memref<2560x128xi32, #tpu.memory_space<hbm>> -> memref<48x128xi32, #tpu.memory_space<hbm>>
        %dma_wait3A_58 = arith.constant 0 : i32
        %dma_wait3A_59 = arith.constant 0 : i32
        %dma_wait3A_60 = tpu.memref_slice %arg7[%dma_wait3A_58, %dma_wait3A_59] : memref<64x128xi32, #tpu.memory_space<vmem>> -> memref<48x128xi32, #tpu.memory_space<vmem>>
        %dma_wait3A_61 = arith.constant 0 : i32
        %dma_wait3A_62 = tpu.memref_slice %arg3[%add3A_17, %dma_wait3A_61] : memref<2560x128xi32, #tpu.memory_space<hbm>> -> memref<48x128xi32, #tpu.memory_space<hbm>>
        tpu.wait_dma2 semaphore(%run_scoped3A : memref<!tpu.dma_semaphore, #tpu.memory_space<semaphore_mem>>) src(%dma_wait3A_62 : memref<48x128xi32, #tpu.memory_space<hbm>>) dst(%dma_wait3A_60 : memref<48x128xi32, #tpu.memory_space<vmem>>)
        tpu.yield
      }) : () -> ()
      %add3A_18 = arith.constant 0 : i32
      %add3A_19 = arith.addi %mul3A_16, %add3A_18 : i32
      "tpu.region"() ({
        %run_scoped3A = tpu.sem_alloc : memref<!tpu.dma_semaphore, #tpu.memory_space<semaphore_mem>>
        %dma_start3A_44 = arith.constant 0 : i32
        %dma_start3A_45 = arith.constant 0 : i32
        %dma_start3A_46 = tpu.memref_slice %arg8[%dma_start3A_44, %dma_start3A_45] : memref<64x128xi32, #tpu.memory_space<vmem>> -> memref<48x128xi32, #tpu.memory_space<vmem>>
        %dma_start3A_47 = arith.constant 0 : i32
        %dma_start3A_48 = tpu.memref_slice %arg4[%add3A_19, %dma_start3A_47] : memref<2560x128xi32, #tpu.memory_space<hbm>> -> memref<48x128xi32, #tpu.memory_space<hbm>>
        %dma_start3A_49 = arith.constant 0 : i32
        %dma_start3A_50 = arith.constant 0 : i32
        %dma_start3A_51 = tpu.memref_slice %arg8[%dma_start3A_49, %dma_start3A_50] : memref<64x128xi32, #tpu.memory_space<vmem>> -> memref<48x128xi32, #tpu.memory_space<vmem>>
        %dma_start3A_52 = arith.constant 0 : i32
        %dma_start3A_53 = tpu.memref_slice %arg4[%add3A_19, %dma_start3A_52] : memref<2560x128xi32, #tpu.memory_space<hbm>> -> memref<48x128xi32, #tpu.memory_space<hbm>>
        tpu.enqueue_dma source(%dma_start3A_53 : memref<48x128xi32, #tpu.memory_space<hbm>>) target(%dma_start3A_51 : memref<48x128xi32, #tpu.memory_space<vmem>>) target_semaphore(%run_scoped3A : memref<!tpu.dma_semaphore, #tpu.memory_space<semaphore_mem>>)
        %dma_wait3A = arith.constant 0 : i32
        %dma_wait3A_54 = arith.constant 0 : i32
        %dma_wait3A_55 = tpu.memref_slice %arg8[%dma_wait3A, %dma_wait3A_54] : memref<64x128xi32, #tpu.memory_space<vmem>> -> memref<48x128xi32, #tpu.memory_space<vmem>>
        %dma_wait3A_56 = arith.constant 0 : i32
        %dma_wait3A_57 = tpu.memref_slice %arg4[%add3A_19, %dma_wait3A_56] : memref<2560x128xi32, #tpu.memory_space<hbm>> -> memref<48x128xi32, #tpu.memory_space<hbm>>
        %dma_wait3A_58 = arith.constant 0 : i32
        %dma_wait3A_59 = arith.constant 0 : i32
        %dma_wait3A_60 = tpu.memref_slice %arg8[%dma_wait3A_58, %dma_wait3A_59] : memref<64x128xi32, #tpu.memory_space<vmem>> -> memref<48x128xi32, #tpu.memory_space<vmem>>
        %dma_wait3A_61 = arith.constant 0 : i32
        %dma_wait3A_62 = tpu.memref_slice %arg4[%add3A_19, %dma_wait3A_61] : memref<2560x128xi32, #tpu.memory_space<hbm>> -> memref<48x128xi32, #tpu.memory_space<hbm>>
        tpu.wait_dma2 semaphore(%run_scoped3A : memref<!tpu.dma_semaphore, #tpu.memory_space<semaphore_mem>>) src(%dma_wait3A_62 : memref<48x128xi32, #tpu.memory_space<hbm>>) dst(%dma_wait3A_60 : memref<48x128xi32, #tpu.memory_space<vmem>>)
        tpu.yield
      }) : () -> ()
      %dma_start3A = arith.constant 0 : i32
      %dma_start3A_20 = arith.constant 0 : i32
      %dma_start3A_21 = arith.constant 0 : i32
      %dma_start3A_22 = tpu.memref_slice %arg9[%dma_start3A_20, %dma_start3A_21] : memref<128x128xf32, #tpu.memory_space<vmem>> -> memref<64x128xf32, #tpu.memory_space<vmem>>
      %dma_start3A_23 = arith.constant 0 : i32
      %dma_start3A_24 = tpu.memref_slice %arg7[%dma_start3A, %dma_start3A_23] : memref<64x128xi32, #tpu.memory_space<vmem>> -> memref<1x64xi32, #tpu.memory_space<vmem>>
      %dma_start3A_25 = tpu.memref_squeeze %dma_start3A_24 : memref<1x64xi32, #tpu.memory_space<vmem>> -> memref<64xi32, #tpu.memory_space<vmem>>
      %dma_start3A_26 = arith.constant 0 : i32
      %dma_start3A_27 = arith.constant 0 : i32
      %dma_start3A_28 = tpu.memref_slice %arg2[%dma_start3A_26, %dma_start3A_27] : memref<10000x128xf32, #tpu.memory_space<hbm>> -> memref<10000x128xf32, #tpu.memory_space<hbm>>
      tpu.enqueue_indirect_dma source(%dma_start3A_28 : memref<10000x128xf32, #tpu.memory_space<hbm>>) target(%dma_start3A_22 : memref<64x128xf32, #tpu.memory_space<vmem>>) offsets(%dma_start3A_25 : memref<64xi32, #tpu.memory_space<vmem>>) semaphore(%arg12 : memref<!tpu.dma_semaphore, #tpu.memory_space<semaphore_mem>>)
      %dma_start3A_29 = arith.constant 0 : i32
      %dma_start3A_30 = arith.constant 64 : i32
      %dma_start3A_31 = arith.constant 0 : i32
      %dma_start3A_32 = tpu.memref_slice %arg9[%dma_start3A_30, %dma_start3A_31] : memref<128x128xf32, #tpu.memory_space<vmem>> -> memref<64x128xf32, #tpu.memory_space<vmem>>
      %dma_start3A_33 = arith.constant 64 : i32
      %dma_start3A_34 = tpu.memref_slice %arg7[%dma_start3A_29, %dma_start3A_33] : memref<64x128xi32, #tpu.memory_space<vmem>> -> memref<1x64xi32, #tpu.memory_space<vmem>>
      %dma_start3A_35 = tpu.memref_squeeze %dma_start3A_34 : memref<1x64xi32, #tpu.memory_space<vmem>> -> memref<64xi32, #tpu.memory_space<vmem>>
      %dma_start3A_36 = arith.constant 0 : i32
      %dma_start3A_37 = arith.constant 0 : i32
      %dma_start3A_38 = tpu.memref_slice %arg2[%dma_start3A_36, %dma_start3A_37] : memref<10000x128xf32, #tpu.memory_space<hbm>> -> memref<10000x128xf32, #tpu.memory_space<hbm>>
      tpu.enqueue_indirect_dma source(%dma_start3A_38 : memref<10000x128xf32, #tpu.memory_space<hbm>>) target(%dma_start3A_32 : memref<64x128xf32, #tpu.memory_space<vmem>>) offsets(%dma_start3A_35 : memref<64xi32, #tpu.memory_space<vmem>>) semaphore(%arg12 : memref<!tpu.dma_semaphore, #tpu.memory_space<semaphore_mem>>)
      %scan3A = arith.constant 0 : i32
      %scan3A_39 = arith.constant 0 : i32
      %scan3A_40 = arith.constant 24 : i32
      %scan3A_41 = arith.addi %scan3A_39, %scan3A_40 : i32
      %scan3A_42 = arith.constant 1 : i32
      scf.for %scan3A_44 = %scan3A_39 to %scan3A_41 step %scan3A_42  : i32 {
        %mul3A_45 = arith.constant 2 : i32
        %mul3A_46 = arith.muli %mul3A_45, %scan3A_44 : i32
        %mul3A_47 = arith.constant 2 : i32
        %mul3A_48 = arith.muli %mul3A_47, %scan3A_44 : i32
        %add3A_49 = arith.constant 1 : i32
        %add3A_50 = arith.addi %mul3A_48, %add3A_49 : i32
        %dma_wait3A = arith.constant 0 : i32
        %dma_wait3A_51 = arith.constant 0 : i32
        %dma_wait3A_52 = tpu.memref_slice %arg9[%dma_wait3A, %dma_wait3A_51] : memref<128x128xf32, #tpu.memory_space<vmem>> -> memref<64x128xf32, #tpu.memory_space<vmem>>
        %dma_wait3A_53 = arith.constant 0 : i32
        %dma_wait3A_54 = arith.constant 0 : i32
        %dma_wait3A_55 = tpu.memref_slice %arg2[%dma_wait3A_53, %dma_wait3A_54] : memref<10000x128xf32, #tpu.memory_space<hbm>> -> memref<64x128xf32, #tpu.memory_space<hbm>>
        %dma_wait3A_56 = arith.constant 0 : i32
        %dma_wait3A_57 = arith.constant 0 : i32
        %dma_wait3A_58 = tpu.memref_slice %arg9[%dma_wait3A_56, %dma_wait3A_57] : memref<128x128xf32, #tpu.memory_space<vmem>> -> memref<64x128xf32, #tpu.memory_space<vmem>>
        %dma_wait3A_59 = arith.constant 0 : i32
        %dma_wait3A_60 = arith.constant 0 : i32
        %dma_wait3A_61 = tpu.memref_slice %arg2[%dma_wait3A_59, %dma_wait3A_60] : memref<10000x128xf32, #tpu.memory_space<hbm>> -> memref<64x128xf32, #tpu.memory_space<hbm>>
        tpu.wait_dma2 semaphore(%arg12 : memref<!tpu.dma_semaphore, #tpu.memory_space<semaphore_mem>>) src(%dma_wait3A_61 : memref<64x128xf32, #tpu.memory_space<hbm>>) dst(%dma_wait3A_58 : memref<64x128xf32, #tpu.memory_space<vmem>>)
        %dma_wait3A_62 = arith.constant 0 : i32
        %dma_wait3A_63 = arith.constant 0 : i32
        %dma_wait3A_64 = tpu.memref_slice %arg9[%dma_wait3A_62, %dma_wait3A_63] : memref<128x128xf32, #tpu.memory_space<vmem>> -> memref<64x128xf32, #tpu.memory_space<vmem>>
        %dma_wait3A_65 = arith.constant 0 : i32
        %dma_wait3A_66 = arith.constant 0 : i32
        %dma_wait3A_67 = tpu.memref_slice %arg2[%dma_wait3A_65, %dma_wait3A_66] : memref<10000x128xf32, #tpu.memory_space<hbm>> -> memref<64x128xf32, #tpu.memory_space<hbm>>
        %dma_wait3A_68 = arith.constant 0 : i32
        %dma_wait3A_69 = arith.constant 0 : i32
        %dma_wait3A_70 = tpu.memref_slice %arg9[%dma_wait3A_68, %dma_wait3A_69] : memref<128x128xf32, #tpu.memory_space<vmem>> -> memref<64x128xf32, #tpu.memory_space<vmem>>
        %dma_wait3A_71 = arith.constant 0 : i32
        %dma_wait3A_72 = arith.constant 0 : i32
        %dma_wait3A_73 = tpu.memref_slice %arg2[%dma_wait3A_71, %dma_wait3A_72] : memref<10000x128xf32, #tpu.memory_space<hbm>> -> memref<64x128xf32, #tpu.memory_space<hbm>>
        tpu.wait_dma2 semaphore(%arg12 : memref<!tpu.dma_semaphore, #tpu.memory_space<semaphore_mem>>) src(%dma_wait3A_73 : memref<64x128xf32, #tpu.memory_space<hbm>>) dst(%dma_wait3A_70 : memref<64x128xf32, #tpu.memory_space<vmem>>)
        %dma_start3A_74 = arith.constant 0 : i32
        %dma_start3A_75 = arith.constant 0 : i32
        %dma_start3A_76 = tpu.memref_slice %arg10[%dma_start3A_74, %dma_start3A_75] : memref<128x128xf32, #tpu.memory_space<vmem>> -> memref<64x128xf32, #tpu.memory_space<vmem>>
        %dma_start3A_77 = arith.constant 0 : i32
        %dma_start3A_78 = tpu.memref_slice %arg7[%add3A_50, %dma_start3A_77] : memref<64x128xi32, #tpu.memory_space<vmem>> -> memref<1x64xi32, #tpu.memory_space<vmem>>
        %dma_start3A_79 = tpu.memref_squeeze %dma_start3A_78 : memref<1x64xi32, #tpu.memory_space<vmem>> -> memref<64xi32, #tpu.memory_space<vmem>>
        %dma_start3A_80 = arith.constant 0 : i32
        %dma_start3A_81 = arith.constant 0 : i32
        %dma_start3A_82 = tpu.memref_slice %arg2[%dma_start3A_80, %dma_start3A_81] : memref<10000x128xf32, #tpu.memory_space<hbm>> -> memref<10000x128xf32, #tpu.memory_space<hbm>>
        tpu.enqueue_indirect_dma source(%dma_start3A_82 : memref<10000x128xf32, #tpu.memory_space<hbm>>) target(%dma_start3A_76 : memref<64x128xf32, #tpu.memory_space<vmem>>) offsets(%dma_start3A_79 : memref<64xi32, #tpu.memory_space<vmem>>) semaphore(%arg12 : memref<!tpu.dma_semaphore, #tpu.memory_space<semaphore_mem>>)
        %dma_start3A_83 = arith.constant 64 : i32
        %dma_start3A_84 = arith.constant 0 : i32
        %dma_start3A_85 = tpu.memref_slice %arg10[%dma_start3A_83, %dma_start3A_84] : memref<128x128xf32, #tpu.memory_space<vmem>> -> memref<64x128xf32, #tpu.memory_space<vmem>>
        %dma_start3A_86 = arith.constant 64 : i32
        %dma_start3A_87 = tpu.memref_slice %arg7[%add3A_50, %dma_start3A_86] : memref<64x128xi32, #tpu.memory_space<vmem>> -> memref<1x64xi32, #tpu.memory_space<vmem>>
        %dma_start3A_88 = tpu.memref_squeeze %dma_start3A_87 : memref<1x64xi32, #tpu.memory_space<vmem>> -> memref<64xi32, #tpu.memory_space<vmem>>
        %dma_start3A_89 = arith.constant 0 : i32
        %dma_start3A_90 = arith.constant 0 : i32
        %dma_start3A_91 = tpu.memref_slice %arg2[%dma_start3A_89, %dma_start3A_90] : memref<10000x128xf32, #tpu.memory_space<hbm>> -> memref<10000x128xf32, #tpu.memory_space<hbm>>
        tpu.enqueue_indirect_dma source(%dma_start3A_91 : memref<10000x128xf32, #tpu.memory_space<hbm>>) target(%dma_start3A_85 : memref<64x128xf32, #tpu.memory_space<vmem>>) offsets(%dma_start3A_88 : memref<64xi32, #tpu.memory_space<vmem>>) semaphore(%arg12 : memref<!tpu.dma_semaphore, #tpu.memory_space<semaphore_mem>>)
        "tpu.region"() ({
          %run_scoped3A = tpu.sem_alloc : memref<!tpu.dma_semaphore, #tpu.memory_space<semaphore_mem>>
          %dma_start3A_120 = arith.constant 0 : i32
          %dma_start3A_121 = tpu.memref_slice %arg8[%mul3A_46, %dma_start3A_120] : memref<64x128xi32, #tpu.memory_space<vmem>> -> memref<1x128xi32, #tpu.memory_space<vmem>>
          %dma_start3A_122 = tpu.memref_squeeze %dma_start3A_121 : memref<1x128xi32, #tpu.memory_space<vmem>> -> memref<128xi32, #tpu.memory_space<vmem>>
          %dma_start3A_123 = arith.constant 0 : i32
          %dma_start3A_124 = arith.constant 0 : i32
          %dma_start3A_125 = tpu.memref_slice %arg11[%dma_start3A_123, %dma_start3A_124] : memref<10112x128xf32, #tpu.memory_space<vmem_shared>> -> memref<10112x128xf32, #tpu.memory_space<vmem_shared>>
          tpu.enqueue_indirect_dma source(%arg9 : memref<128x128xf32, #tpu.memory_space<vmem>>) target(%dma_start3A_125 : memref<10112x128xf32, #tpu.memory_space<vmem_shared>>) offsets(%dma_start3A_122 : memref<128xi32, #tpu.memory_space<vmem>>) semaphore(%run_scoped3A : memref<!tpu.dma_semaphore, #tpu.memory_space<semaphore_mem>>) {add = true}
          %dma_wait3A_126 = arith.constant 0 : i32
          %dma_wait3A_127 = tpu.memref_slice %arg8[%mul3A_46, %dma_wait3A_126] : memref<64x128xi32, #tpu.memory_space<vmem>> -> memref<1x128xi32, #tpu.memory_space<vmem>>
          %dma_wait3A_128 = tpu.memref_squeeze %dma_wait3A_127 : memref<1x128xi32, #tpu.memory_space<vmem>> -> memref<128xi32, #tpu.memory_space<vmem>>
          %dma_wait3A_129 = arith.constant 0 : i32
          %dma_wait3A_130 = arith.constant 0 : i32
          %dma_wait3A_131 = tpu.memref_slice %arg11[%dma_wait3A_129, %dma_wait3A_130] : memref<10112x128xf32, #tpu.memory_space<vmem_shared>> -> memref<10112x128xf32, #tpu.memory_space<vmem_shared>>
          tpu.wait_indirect_dma semaphore(%run_scoped3A : memref<!tpu.dma_semaphore, #tpu.memory_space<semaphore_mem>>) src(%arg9 : memref<128x128xf32, #tpu.memory_space<vmem>>) dst(%dma_wait3A_131 : memref<10112x128xf32, #tpu.memory_space<vmem_shared>>)
          tpu.yield
        }) : () -> ()
        %dma_wait3A_92 = arith.constant 0 : i32
        %dma_wait3A_93 = arith.constant 0 : i32
        %dma_wait3A_94 = tpu.memref_slice %arg9[%dma_wait3A_92, %dma_wait3A_93] : memref<128x128xf32, #tpu.memory_space<vmem>> -> memref<64x128xf32, #tpu.memory_space<vmem>>
        %dma_wait3A_95 = arith.constant 0 : i32
        %dma_wait3A_96 = arith.constant 0 : i32
        %dma_wait3A_97 = tpu.memref_slice %arg2[%dma_wait3A_95, %dma_wait3A_96] : memref<10000x128xf32, #tpu.memory_space<hbm>> -> memref<64x128xf32, #tpu.memory_space<hbm>>
        %dma_wait3A_98 = arith.constant 0 : i32
        %dma_wait3A_99 = arith.constant 0 : i32
        %dma_wait3A_100 = tpu.memref_slice %arg9[%dma_wait3A_98, %dma_wait3A_99] : memref<128x128xf32, #tpu.memory_space<vmem>> -> memref<64x128xf32, #tpu.memory_space<vmem>>
        %dma_wait3A_101 = arith.constant 0 : i32
        %dma_wait3A_102 = arith.constant 0 : i32
        %dma_wait3A_103 = tpu.memref_slice %arg2[%dma_wait3A_101, %dma_wait3A_102] : memref<10000x128xf32, #tpu.memory_space<hbm>> -> memref<64x128xf32, #tpu.memory_space<hbm>>
        tpu.wait_dma2 semaphore(%arg12 : memref<!tpu.dma_semaphore, #tpu.memory_space<semaphore_mem>>) src(%dma_wait3A_103 : memref<64x128xf32, #tpu.memory_space<hbm>>) dst(%dma_wait3A_100 : memref<64x128xf32, #tpu.memory_space<vmem>>)
        %dma_wait3A_104 = arith.constant 0 : i32
        %dma_wait3A_105 = arith.constant 0 : i32
        %dma_wait3A_106 = tpu.memref_slice %arg9[%dma_wait3A_104, %dma_wait3A_105] : memref<128x128xf32, #tpu.memory_space<vmem>> -> memref<64x128xf32, #tpu.memory_space<vmem>>
        %dma_wait3A_107 = arith.constant 0 : i32
        %dma_wait3A_108 = arith.constant 0 : i32
        %dma_wait3A_109 = tpu.memref_slice %arg2[%dma_wait3A_107, %dma_wait3A_108] : memref<10000x128xf32, #tpu.memory_space<hbm>> -> memref<64x128xf32, #tpu.memory_space<hbm>>
        %dma_wait3A_110 = arith.constant 0 : i32
        %dma_wait3A_111 = arith.constant 0 : i32
        %dma_wait3A_112 = tpu.memref_slice %arg9[%dma_wait3A_110, %dma_wait3A_111] : memref<128x128xf32, #tpu.memory_space<vmem>> -> memref<64x128xf32, #tpu.memory_space<vmem>>
        %dma_wait3A_113 = arith.constant 0 : i32
        %dma_wait3A_114 = arith.constant 0 : i32
        %dma_wait3A_115 = tpu.memref_slice %arg2[%dma_wait3A_113, %dma_wait3A_114] : memref<10000x128xf32, #tpu.memory_space<hbm>> -> memref<64x128xf32, #tpu.memory_space<hbm>>
        tpu.wait_dma2 semaphore(%arg12 : memref<!tpu.dma_semaphore, #tpu.memory_space<semaphore_mem>>) src(%dma_wait3A_115 : memref<64x128xf32, #tpu.memory_space<hbm>>) dst(%dma_wait3A_112 : memref<64x128xf32, #tpu.memory_space<vmem>>)
        %lt3A = arith.constant 23 : i32
        %lt3A_116 = arith.cmpi slt, %scan3A_44, %lt3A : i32
        %convert_element_type3A_117 = arith.extui %lt3A_116 : i1 to i32
        %cond3A_118 = arith.constant 0 : i32
        %cond3A_119 = arith.cmpi ne, %convert_element_type3A_117, %cond3A_118 : i32
        scf.if %cond3A_119 {
          %add3A_120 = arith.constant 2 : i32
          %add3A_121 = arith.addi %mul3A_46, %add3A_120 : i32
          %dma_start3A_122 = arith.constant 0 : i32
          %dma_start3A_123 = arith.constant 0 : i32
          %dma_start3A_124 = tpu.memref_slice %arg9[%dma_start3A_122, %dma_start3A_123] : memref<128x128xf32, #tpu.memory_space<vmem>> -> memref<64x128xf32, #tpu.memory_space<vmem>>
          %dma_start3A_125 = arith.constant 0 : i32
          %dma_start3A_126 = tpu.memref_slice %arg7[%add3A_121, %dma_start3A_125] : memref<64x128xi32, #tpu.memory_space<vmem>> -> memref<1x64xi32, #tpu.memory_space<vmem>>
          %dma_start3A_127 = tpu.memref_squeeze %dma_start3A_126 : memref<1x64xi32, #tpu.memory_space<vmem>> -> memref<64xi32, #tpu.memory_space<vmem>>
          %dma_start3A_128 = arith.constant 0 : i32
          %dma_start3A_129 = arith.constant 0 : i32
          %dma_start3A_130 = tpu.memref_slice %arg2[%dma_start3A_128, %dma_start3A_129] : memref<10000x128xf32, #tpu.memory_space<hbm>> -> memref<10000x128xf32, #tpu.memory_space<hbm>>
          tpu.enqueue_indirect_dma source(%dma_start3A_130 : memref<10000x128xf32, #tpu.memory_space<hbm>>) target(%dma_start3A_124 : memref<64x128xf32, #tpu.memory_space<vmem>>) offsets(%dma_start3A_127 : memref<64xi32, #tpu.memory_space<vmem>>) semaphore(%arg12 : memref<!tpu.dma_semaphore, #tpu.memory_space<semaphore_mem>>)
          %dma_start3A_131 = arith.constant 64 : i32
          %dma_start3A_132 = arith.constant 0 : i32
          %dma_start3A_133 = tpu.memref_slice %arg9[%dma_start3A_131, %dma_start3A_132] : memref<128x128xf32, #tpu.memory_space<vmem>> -> memref<64x128xf32, #tpu.memory_space<vmem>>
          %dma_start3A_134 = arith.constant 64 : i32
          %dma_start3A_135 = tpu.memref_slice %arg7[%add3A_121, %dma_start3A_134] : memref<64x128xi32, #tpu.memory_space<vmem>> -> memref<1x64xi32, #tpu.memory_space<vmem>>
          %dma_start3A_136 = tpu.memref_squeeze %dma_start3A_135 : memref<1x64xi32, #tpu.memory_space<vmem>> -> memref<64xi32, #tpu.memory_space<vmem>>
          %dma_start3A_137 = arith.constant 0 : i32
          %dma_start3A_138 = arith.constant 0 : i32
          %dma_start3A_139 = tpu.memref_slice %arg2[%dma_start3A_137, %dma_start3A_138] : memref<10000x128xf32, #tpu.memory_space<hbm>> -> memref<10000x128xf32, #tpu.memory_space<hbm>>
          tpu.enqueue_indirect_dma source(%dma_start3A_139 : memref<10000x128xf32, #tpu.memory_space<hbm>>) target(%dma_start3A_133 : memref<64x128xf32, #tpu.memory_space<vmem>>) offsets(%dma_start3A_136 : memref<64xi32, #tpu.memory_space<vmem>>) semaphore(%arg12 : memref<!tpu.dma_semaphore, #tpu.memory_space<semaphore_mem>>)
        } else {
        }
        "tpu.region"() ({
          %run_scoped3A = tpu.sem_alloc : memref<!tpu.dma_semaphore, #tpu.memory_space<semaphore_mem>>
          %dma_start3A_120 = arith.constant 0 : i32
          %dma_start3A_121 = tpu.memref_slice %arg8[%add3A_50, %dma_start3A_120] : memref<64x128xi32, #tpu.memory_space<vmem>> -> memref<1x128xi32, #tpu.memory_space<vmem>>
          %dma_start3A_122 = tpu.memref_squeeze %dma_start3A_121 : memref<1x128xi32, #tpu.memory_space<vmem>> -> memref<128xi32, #tpu.memory_space<vmem>>
          %dma_start3A_123 = arith.constant 0 : i32
          %dma_start3A_124 = arith.constant 0 : i32
          %dma_start3A_125 = tpu.memref_slice %arg11[%dma_start3A_123, %dma_start3A_124] : memref<10112x128xf32, #tpu.memory_space<vmem_shared>> -> memref<10112x128xf32, #tpu.memory_space<vmem_shared>>
          tpu.enqueue_indirect_dma source(%arg10 : memref<128x128xf32, #tpu.memory_space<vmem>>) target(%dma_start3A_125 : memref<10112x128xf32, #tpu.memory_space<vmem_shared>>) offsets(%dma_start3A_122 : memref<128xi32, #tpu.memory_space<vmem>>) semaphore(%run_scoped3A : memref<!tpu.dma_semaphore, #tpu.memory_space<semaphore_mem>>) {add = true}
          %dma_wait3A_126 = arith.constant 0 : i32
          %dma_wait3A_127 = tpu.memref_slice %arg8[%add3A_50, %dma_wait3A_126] : memref<64x128xi32, #tpu.memory_space<vmem>> -> memref<1x128xi32, #tpu.memory_space<vmem>>
          %dma_wait3A_128 = tpu.memref_squeeze %dma_wait3A_127 : memref<1x128xi32, #tpu.memory_space<vmem>> -> memref<128xi32, #tpu.memory_space<vmem>>
          %dma_wait3A_129 = arith.constant 0 : i32
          %dma_wait3A_130 = arith.constant 0 : i32
          %dma_wait3A_131 = tpu.memref_slice %arg11[%dma_wait3A_129, %dma_wait3A_130] : memref<10112x128xf32, #tpu.memory_space<vmem_shared>> -> memref<10112x128xf32, #tpu.memory_space<vmem_shared>>
          tpu.wait_indirect_dma semaphore(%run_scoped3A : memref<!tpu.dma_semaphore, #tpu.memory_space<semaphore_mem>>) src(%arg10 : memref<128x128xf32, #tpu.memory_space<vmem>>) dst(%dma_wait3A_131 : memref<10112x128xf32, #tpu.memory_space<vmem_shared>>)
          tpu.yield
        }) : () -> ()
      }
      %scan3A_43 = arith.constant 24 : i32
    } else {
    }
    %eq3A_5 = arith.constant 1 : i32
    %eq3A_6 = arith.cmpi eq, %arg0, %eq3A_5 : i32
    %convert_element_type3A_7 = arith.extui %eq3A_6 : i1 to i32
    %cond3A_8 = arith.constant 0 : i32
    %cond3A_9 = arith.cmpi ne, %convert_element_type3A_7, %cond3A_8 : i32
    scf.if %cond3A_9 {
      %mul3A_15 = arith.constant 112 : i32
      %mul3A_16 = arith.muli %arg1, %mul3A_15 : i32
      %add3A = arith.constant 768 : i32
      %add3A_17 = arith.addi %add3A, %mul3A_16 : i32
      %add3A_18 = arith.constant 0 : i32
      %add3A_19 = arith.addi %add3A_17, %add3A_18 : i32
      "tpu.region"() ({
        %run_scoped3A = tpu.sem_alloc : memref<!tpu.dma_semaphore, #tpu.memory_space<semaphore_mem>>
        %dma_start3A_76 = arith.constant 0 : i32
        %dma_start3A_77 = arith.constant 0 : i32
        %dma_start3A_78 = tpu.memref_slice %arg7[%dma_start3A_76, %dma_start3A_77] : memref<64x128xi32, #tpu.memory_space<vmem>> -> memref<56x128xi32, #tpu.memory_space<vmem>>
        %dma_start3A_79 = arith.constant 0 : i32
        %dma_start3A_80 = tpu.memref_slice %arg3[%add3A_19, %dma_start3A_79] : memref<2560x128xi32, #tpu.memory_space<hbm>> -> memref<56x128xi32, #tpu.memory_space<hbm>>
        %dma_start3A_81 = arith.constant 0 : i32
        %dma_start3A_82 = arith.constant 0 : i32
        %dma_start3A_83 = tpu.memref_slice %arg7[%dma_start3A_81, %dma_start3A_82] : memref<64x128xi32, #tpu.memory_space<vmem>> -> memref<56x128xi32, #tpu.memory_space<vmem>>
        %dma_start3A_84 = arith.constant 0 : i32
        %dma_start3A_85 = tpu.memref_slice %arg3[%add3A_19, %dma_start3A_84] : memref<2560x128xi32, #tpu.memory_space<hbm>> -> memref<56x128xi32, #tpu.memory_space<hbm>>
        tpu.enqueue_dma source(%dma_start3A_85 : memref<56x128xi32, #tpu.memory_space<hbm>>) target(%dma_start3A_83 : memref<56x128xi32, #tpu.memory_space<vmem>>) target_semaphore(%run_scoped3A : memref<!tpu.dma_semaphore, #tpu.memory_space<semaphore_mem>>)
        %dma_wait3A = arith.constant 0 : i32
        %dma_wait3A_86 = arith.constant 0 : i32
        %dma_wait3A_87 = tpu.memref_slice %arg7[%dma_wait3A, %dma_wait3A_86] : memref<64x128xi32, #tpu.memory_space<vmem>> -> memref<56x128xi32, #tpu.memory_space<vmem>>
        %dma_wait3A_88 = arith.constant 0 : i32
        %dma_wait3A_89 = tpu.memref_slice %arg3[%add3A_19, %dma_wait3A_88] : memref<2560x128xi32, #tpu.memory_space<hbm>> -> memref<56x128xi32, #tpu.memory_space<hbm>>
        %dma_wait3A_90 = arith.constant 0 : i32
        %dma_wait3A_91 = arith.constant 0 : i32
        %dma_wait3A_92 = tpu.memref_slice %arg7[%dma_wait3A_90, %dma_wait3A_91] : memref<64x128xi32, #tpu.memory_space<vmem>> -> memref<56x128xi32, #tpu.memory_space<vmem>>
        %dma_wait3A_93 = arith.constant 0 : i32
        %dma_wait3A_94 = tpu.memref_slice %arg3[%add3A_19, %dma_wait3A_93] : memref<2560x128xi32, #tpu.memory_space<hbm>> -> memref<56x128xi32, #tpu.memory_space<hbm>>
        tpu.wait_dma2 semaphore(%run_scoped3A : memref<!tpu.dma_semaphore, #tpu.memory_space<semaphore_mem>>) src(%dma_wait3A_94 : memref<56x128xi32, #tpu.memory_space<hbm>>) dst(%dma_wait3A_92 : memref<56x128xi32, #tpu.memory_space<vmem>>)
        tpu.yield
      }) : () -> ()
      %add3A_20 = arith.constant 0 : i32
      %add3A_21 = arith.addi %add3A_17, %add3A_20 : i32
      "tpu.region"() ({
        %run_scoped3A = tpu.sem_alloc : memref<!tpu.dma_semaphore, #tpu.memory_space<semaphore_mem>>
        %dma_start3A_76 = arith.constant 0 : i32
        %dma_start3A_77 = arith.constant 0 : i32
        %dma_start3A_78 = tpu.memref_slice %arg8[%dma_start3A_76, %dma_start3A_77] : memref<64x128xi32, #tpu.memory_space<vmem>> -> memref<56x128xi32, #tpu.memory_space<vmem>>
        %dma_start3A_79 = arith.constant 0 : i32
        %dma_start3A_80 = tpu.memref_slice %arg4[%add3A_21, %dma_start3A_79] : memref<2560x128xi32, #tpu.memory_space<hbm>> -> memref<56x128xi32, #tpu.memory_space<hbm>>
        %dma_start3A_81 = arith.constant 0 : i32
        %dma_start3A_82 = arith.constant 0 : i32
        %dma_start3A_83 = tpu.memref_slice %arg8[%dma_start3A_81, %dma_start3A_82] : memref<64x128xi32, #tpu.memory_space<vmem>> -> memref<56x128xi32, #tpu.memory_space<vmem>>
        %dma_start3A_84 = arith.constant 0 : i32
        %dma_start3A_85 = tpu.memref_slice %arg4[%add3A_21, %dma_start3A_84] : memref<2560x128xi32, #tpu.memory_space<hbm>> -> memref<56x128xi32, #tpu.memory_space<hbm>>
        tpu.enqueue_dma source(%dma_start3A_85 : memref<56x128xi32, #tpu.memory_space<hbm>>) target(%dma_start3A_83 : memref<56x128xi32, #tpu.memory_space<vmem>>) target_semaphore(%run_scoped3A : memref<!tpu.dma_semaphore, #tpu.memory_space<semaphore_mem>>)
        %dma_wait3A = arith.constant 0 : i32
        %dma_wait3A_86 = arith.constant 0 : i32
        %dma_wait3A_87 = tpu.memref_slice %arg8[%dma_wait3A, %dma_wait3A_86] : memref<64x128xi32, #tpu.memory_space<vmem>> -> memref<56x128xi32, #tpu.memory_space<vmem>>
        %dma_wait3A_88 = arith.constant 0 : i32
        %dma_wait3A_89 = tpu.memref_slice %arg4[%add3A_21, %dma_wait3A_88] : memref<2560x128xi32, #tpu.memory_space<hbm>> -> memref<56x128xi32, #tpu.memory_space<hbm>>
        %dma_wait3A_90 = arith.constant 0 : i32
        %dma_wait3A_91 = arith.constant 0 : i32
        %dma_wait3A_92 = tpu.memref_slice %arg8[%dma_wait3A_90, %dma_wait3A_91] : memref<64x128xi32, #tpu.memory_space<vmem>> -> memref<56x128xi32, #tpu.memory_space<vmem>>
        %dma_wait3A_93 = arith.constant 0 : i32
        %dma_wait3A_94 = tpu.memref_slice %arg4[%add3A_21, %dma_wait3A_93] : memref<2560x128xi32, #tpu.memory_space<hbm>> -> memref<56x128xi32, #tpu.memory_space<hbm>>
        tpu.wait_dma2 semaphore(%run_scoped3A : memref<!tpu.dma_semaphore, #tpu.memory_space<semaphore_mem>>) src(%dma_wait3A_94 : memref<56x128xi32, #tpu.memory_space<hbm>>) dst(%dma_wait3A_92 : memref<56x128xi32, #tpu.memory_space<vmem>>)
        tpu.yield
      }) : () -> ()
      %dma_start3A = arith.constant 0 : i32
      %dma_start3A_22 = arith.constant 0 : i32
      %dma_start3A_23 = arith.constant 0 : i32
      %dma_start3A_24 = tpu.memref_slice %arg9[%dma_start3A_22, %dma_start3A_23] : memref<128x128xf32, #tpu.memory_space<vmem>> -> memref<64x128xf32, #tpu.memory_space<vmem>>
      %dma_start3A_25 = arith.constant 0 : i32
      %dma_start3A_26 = tpu.memref_slice %arg7[%dma_start3A, %dma_start3A_25] : memref<64x128xi32, #tpu.memory_space<vmem>> -> memref<1x64xi32, #tpu.memory_space<vmem>>
      %dma_start3A_27 = tpu.memref_squeeze %dma_start3A_26 : memref<1x64xi32, #tpu.memory_space<vmem>> -> memref<64xi32, #tpu.memory_space<vmem>>
      %dma_start3A_28 = arith.constant 0 : i32
      %dma_start3A_29 = arith.constant 0 : i32
      %dma_start3A_30 = tpu.memref_slice %arg2[%dma_start3A_28, %dma_start3A_29] : memref<10000x128xf32, #tpu.memory_space<hbm>> -> memref<10000x128xf32, #tpu.memory_space<hbm>>
      tpu.enqueue_indirect_dma source(%dma_start3A_30 : memref<10000x128xf32, #tpu.memory_space<hbm>>) target(%dma_start3A_24 : memref<64x128xf32, #tpu.memory_space<vmem>>) offsets(%dma_start3A_27 : memref<64xi32, #tpu.memory_space<vmem>>) semaphore(%arg12 : memref<!tpu.dma_semaphore, #tpu.memory_space<semaphore_mem>>)
      %dma_start3A_31 = arith.constant 0 : i32
      %dma_start3A_32 = arith.constant 64 : i32
      %dma_start3A_33 = arith.constant 0 : i32
      %dma_start3A_34 = tpu.memref_slice %arg9[%dma_start3A_32, %dma_start3A_33] : memref<128x128xf32, #tpu.memory_space<vmem>> -> memref<64x128xf32, #tpu.memory_space<vmem>>
      %dma_start3A_35 = arith.constant 64 : i32
      %dma_start3A_36 = tpu.memref_slice %arg7[%dma_start3A_31, %dma_start3A_35] : memref<64x128xi32, #tpu.memory_space<vmem>> -> memref<1x64xi32, #tpu.memory_space<vmem>>
      %dma_start3A_37 = tpu.memref_squeeze %dma_start3A_36 : memref<1x64xi32, #tpu.memory_space<vmem>> -> memref<64xi32, #tpu.memory_space<vmem>>
      %dma_start3A_38 = arith.constant 0 : i32
      %dma_start3A_39 = arith.constant 0 : i32
      %dma_start3A_40 = tpu.memref_slice %arg2[%dma_start3A_38, %dma_start3A_39] : memref<10000x128xf32, #tpu.memory_space<hbm>> -> memref<10000x128xf32, #tpu.memory_space<hbm>>
      tpu.enqueue_indirect_dma source(%dma_start3A_40 : memref<10000x128xf32, #tpu.memory_space<hbm>>) target(%dma_start3A_34 : memref<64x128xf32, #tpu.memory_space<vmem>>) offsets(%dma_start3A_37 : memref<64xi32, #tpu.memory_space<vmem>>) semaphore(%arg12 : memref<!tpu.dma_semaphore, #tpu.memory_space<semaphore_mem>>)
      %scan3A = arith.constant 0 : i32
      %scan3A_41 = arith.constant 0 : i32
      %scan3A_42 = arith.constant 28 : i32
      %scan3A_43 = arith.addi %scan3A_41, %scan3A_42 : i32
      %scan3A_44 = arith.constant 1 : i32
      scf.for %scan3A_76 = %scan3A_41 to %scan3A_43 step %scan3A_44  : i32 {
        %mul3A_77 = arith.constant 2 : i32
        %mul3A_78 = arith.muli %mul3A_77, %scan3A_76 : i32
        %mul3A_79 = arith.constant 2 : i32
        %mul3A_80 = arith.muli %mul3A_79, %scan3A_76 : i32
        %add3A_81 = arith.constant 1 : i32
        %add3A_82 = arith.addi %mul3A_80, %add3A_81 : i32
        %dma_wait3A = arith.constant 0 : i32
        %dma_wait3A_83 = arith.constant 0 : i32
        %dma_wait3A_84 = tpu.memref_slice %arg9[%dma_wait3A, %dma_wait3A_83] : memref<128x128xf32, #tpu.memory_space<vmem>> -> memref<64x128xf32, #tpu.memory_space<vmem>>
        %dma_wait3A_85 = arith.constant 0 : i32
        %dma_wait3A_86 = arith.constant 0 : i32
        %dma_wait3A_87 = tpu.memref_slice %arg2[%dma_wait3A_85, %dma_wait3A_86] : memref<10000x128xf32, #tpu.memory_space<hbm>> -> memref<64x128xf32, #tpu.memory_space<hbm>>
        %dma_wait3A_88 = arith.constant 0 : i32
        %dma_wait3A_89 = arith.constant 0 : i32
        %dma_wait3A_90 = tpu.memref_slice %arg9[%dma_wait3A_88, %dma_wait3A_89] : memref<128x128xf32, #tpu.memory_space<vmem>> -> memref<64x128xf32, #tpu.memory_space<vmem>>
        %dma_wait3A_91 = arith.constant 0 : i32
        %dma_wait3A_92 = arith.constant 0 : i32
        %dma_wait3A_93 = tpu.memref_slice %arg2[%dma_wait3A_91, %dma_wait3A_92] : memref<10000x128xf32, #tpu.memory_space<hbm>> -> memref<64x128xf32, #tpu.memory_space<hbm>>
        tpu.wait_dma2 semaphore(%arg12 : memref<!tpu.dma_semaphore, #tpu.memory_space<semaphore_mem>>) src(%dma_wait3A_93 : memref<64x128xf32, #tpu.memory_space<hbm>>) dst(%dma_wait3A_90 : memref<64x128xf32, #tpu.memory_space<vmem>>)
        %dma_wait3A_94 = arith.constant 0 : i32
        %dma_wait3A_95 = arith.constant 0 : i32
        %dma_wait3A_96 = tpu.memref_slice %arg9[%dma_wait3A_94, %dma_wait3A_95] : memref<128x128xf32, #tpu.memory_space<vmem>> -> memref<64x128xf32, #tpu.memory_space<vmem>>
        %dma_wait3A_97 = arith.constant 0 : i32
        %dma_wait3A_98 = arith.constant 0 : i32
        %dma_wait3A_99 = tpu.memref_slice %arg2[%dma_wait3A_97, %dma_wait3A_98] : memref<10000x128xf32, #tpu.memory_space<hbm>> -> memref<64x128xf32, #tpu.memory_space<hbm>>
        %dma_wait3A_100 = arith.constant 0 : i32
        %dma_wait3A_101 = arith.constant 0 : i32
        %dma_wait3A_102 = tpu.memref_slice %arg9[%dma_wait3A_100, %dma_wait3A_101] : memref<128x128xf32, #tpu.memory_space<vmem>> -> memref<64x128xf32, #tpu.memory_space<vmem>>
        %dma_wait3A_103 = arith.constant 0 : i32
        %dma_wait3A_104 = arith.constant 0 : i32
        %dma_wait3A_105 = tpu.memref_slice %arg2[%dma_wait3A_103, %dma_wait3A_104] : memref<10000x128xf32, #tpu.memory_space<hbm>> -> memref<64x128xf32, #tpu.memory_space<hbm>>
        tpu.wait_dma2 semaphore(%arg12 : memref<!tpu.dma_semaphore, #tpu.memory_space<semaphore_mem>>) src(%dma_wait3A_105 : memref<64x128xf32, #tpu.memory_space<hbm>>) dst(%dma_wait3A_102 : memref<64x128xf32, #tpu.memory_space<vmem>>)
        %dma_start3A_106 = arith.constant 0 : i32
        %dma_start3A_107 = arith.constant 0 : i32
        %dma_start3A_108 = tpu.memref_slice %arg10[%dma_start3A_106, %dma_start3A_107] : memref<128x128xf32, #tpu.memory_space<vmem>> -> memref<64x128xf32, #tpu.memory_space<vmem>>
        %dma_start3A_109 = arith.constant 0 : i32
        %dma_start3A_110 = tpu.memref_slice %arg7[%add3A_82, %dma_start3A_109] : memref<64x128xi32, #tpu.memory_space<vmem>> -> memref<1x64xi32, #tpu.memory_space<vmem>>
        %dma_start3A_111 = tpu.memref_squeeze %dma_start3A_110 : memref<1x64xi32, #tpu.memory_space<vmem>> -> memref<64xi32, #tpu.memory_space<vmem>>
        %dma_start3A_112 = arith.constant 0 : i32
        %dma_start3A_113 = arith.constant 0 : i32
        %dma_start3A_114 = tpu.memref_slice %arg2[%dma_start3A_112, %dma_start3A_113] : memref<10000x128xf32, #tpu.memory_space<hbm>> -> memref<10000x128xf32, #tpu.memory_space<hbm>>
        tpu.enqueue_indirect_dma source(%dma_start3A_114 : memref<10000x128xf32, #tpu.memory_space<hbm>>) target(%dma_start3A_108 : memref<64x128xf32, #tpu.memory_space<vmem>>) offsets(%dma_start3A_111 : memref<64xi32, #tpu.memory_space<vmem>>) semaphore(%arg12 : memref<!tpu.dma_semaphore, #tpu.memory_space<semaphore_mem>>)
        %dma_start3A_115 = arith.constant 64 : i32
        %dma_start3A_116 = arith.constant 0 : i32
        %dma_start3A_117 = tpu.memref_slice %arg10[%dma_start3A_115, %dma_start3A_116] : memref<128x128xf32, #tpu.memory_space<vmem>> -> memref<64x128xf32, #tpu.memory_space<vmem>>
        %dma_start3A_118 = arith.constant 64 : i32
        %dma_start3A_119 = tpu.memref_slice %arg7[%add3A_82, %dma_start3A_118] : memref<64x128xi32, #tpu.memory_space<vmem>> -> memref<1x64xi32, #tpu.memory_space<vmem>>
        %dma_start3A_120 = tpu.memref_squeeze %dma_start3A_119 : memref<1x64xi32, #tpu.memory_space<vmem>> -> memref<64xi32, #tpu.memory_space<vmem>>
        %dma_start3A_121 = arith.constant 0 : i32
        %dma_start3A_122 = arith.constant 0 : i32
        %dma_start3A_123 = tpu.memref_slice %arg2[%dma_start3A_121, %dma_start3A_122] : memref<10000x128xf32, #tpu.memory_space<hbm>> -> memref<10000x128xf32, #tpu.memory_space<hbm>>
        tpu.enqueue_indirect_dma source(%dma_start3A_123 : memref<10000x128xf32, #tpu.memory_space<hbm>>) target(%dma_start3A_117 : memref<64x128xf32, #tpu.memory_space<vmem>>) offsets(%dma_start3A_120 : memref<64xi32, #tpu.memory_space<vmem>>) semaphore(%arg12 : memref<!tpu.dma_semaphore, #tpu.memory_space<semaphore_mem>>)
        "tpu.region"() ({
          %run_scoped3A = tpu.sem_alloc : memref<!tpu.dma_semaphore, #tpu.memory_space<semaphore_mem>>
          %dma_start3A_152 = arith.constant 0 : i32
          %dma_start3A_153 = tpu.memref_slice %arg8[%mul3A_78, %dma_start3A_152] : memref<64x128xi32, #tpu.memory_space<vmem>> -> memref<1x128xi32, #tpu.memory_space<vmem>>
          %dma_start3A_154 = tpu.memref_squeeze %dma_start3A_153 : memref<1x128xi32, #tpu.memory_space<vmem>> -> memref<128xi32, #tpu.memory_space<vmem>>
          %dma_start3A_155 = arith.constant 0 : i32
          %dma_start3A_156 = arith.constant 0 : i32
          %dma_start3A_157 = tpu.memref_slice %arg11[%dma_start3A_155, %dma_start3A_156] : memref<10112x128xf32, #tpu.memory_space<vmem_shared>> -> memref<10112x128xf32, #tpu.memory_space<vmem_shared>>
          tpu.enqueue_indirect_dma source(%arg9 : memref<128x128xf32, #tpu.memory_space<vmem>>) target(%dma_start3A_157 : memref<10112x128xf32, #tpu.memory_space<vmem_shared>>) offsets(%dma_start3A_154 : memref<128xi32, #tpu.memory_space<vmem>>) semaphore(%run_scoped3A : memref<!tpu.dma_semaphore, #tpu.memory_space<semaphore_mem>>) {add = true}
          %dma_wait3A_158 = arith.constant 0 : i32
          %dma_wait3A_159 = tpu.memref_slice %arg8[%mul3A_78, %dma_wait3A_158] : memref<64x128xi32, #tpu.memory_space<vmem>> -> memref<1x128xi32, #tpu.memory_space<vmem>>
          %dma_wait3A_160 = tpu.memref_squeeze %dma_wait3A_159 : memref<1x128xi32, #tpu.memory_space<vmem>> -> memref<128xi32, #tpu.memory_space<vmem>>
          %dma_wait3A_161 = arith.constant 0 : i32
          %dma_wait3A_162 = arith.constant 0 : i32
          %dma_wait3A_163 = tpu.memref_slice %arg11[%dma_wait3A_161, %dma_wait3A_162] : memref<10112x128xf32, #tpu.memory_space<vmem_shared>> -> memref<10112x128xf32, #tpu.memory_space<vmem_shared>>
          tpu.wait_indirect_dma semaphore(%run_scoped3A : memref<!tpu.dma_semaphore, #tpu.memory_space<semaphore_mem>>) src(%arg9 : memref<128x128xf32, #tpu.memory_space<vmem>>) dst(%dma_wait3A_163 : memref<10112x128xf32, #tpu.memory_space<vmem_shared>>)
          tpu.yield
        }) : () -> ()
        %dma_wait3A_124 = arith.constant 0 : i32
        %dma_wait3A_125 = arith.constant 0 : i32
        %dma_wait3A_126 = tpu.memref_slice %arg9[%dma_wait3A_124, %dma_wait3A_125] : memref<128x128xf32, #tpu.memory_space<vmem>> -> memref<64x128xf32, #tpu.memory_space<vmem>>
        %dma_wait3A_127 = arith.constant 0 : i32
        %dma_wait3A_128 = arith.constant 0 : i32
        %dma_wait3A_129 = tpu.memref_slice %arg2[%dma_wait3A_127, %dma_wait3A_128] : memref<10000x128xf32, #tpu.memory_space<hbm>> -> memref<64x128xf32, #tpu.memory_space<hbm>>
        %dma_wait3A_130 = arith.constant 0 : i32
        %dma_wait3A_131 = arith.constant 0 : i32
        %dma_wait3A_132 = tpu.memref_slice %arg9[%dma_wait3A_130, %dma_wait3A_131] : memref<128x128xf32, #tpu.memory_space<vmem>> -> memref<64x128xf32, #tpu.memory_space<vmem>>
        %dma_wait3A_133 = arith.constant 0 : i32
        %dma_wait3A_134 = arith.constant 0 : i32
        %dma_wait3A_135 = tpu.memref_slice %arg2[%dma_wait3A_133, %dma_wait3A_134] : memref<10000x128xf32, #tpu.memory_space<hbm>> -> memref<64x128xf32, #tpu.memory_space<hbm>>
        tpu.wait_dma2 semaphore(%arg12 : memref<!tpu.dma_semaphore, #tpu.memory_space<semaphore_mem>>) src(%dma_wait3A_135 : memref<64x128xf32, #tpu.memory_space<hbm>>) dst(%dma_wait3A_132 : memref<64x128xf32, #tpu.memory_space<vmem>>)
        %dma_wait3A_136 = arith.constant 0 : i32
        %dma_wait3A_137 = arith.constant 0 : i32
        %dma_wait3A_138 = tpu.memref_slice %arg9[%dma_wait3A_136, %dma_wait3A_137] : memref<128x128xf32, #tpu.memory_space<vmem>> -> memref<64x128xf32, #tpu.memory_space<vmem>>
        %dma_wait3A_139 = arith.constant 0 : i32
        %dma_wait3A_140 = arith.constant 0 : i32
        %dma_wait3A_141 = tpu.memref_slice %arg2[%dma_wait3A_139, %dma_wait3A_140] : memref<10000x128xf32, #tpu.memory_space<hbm>> -> memref<64x128xf32, #tpu.memory_space<hbm>>
        %dma_wait3A_142 = arith.constant 0 : i32
        %dma_wait3A_143 = arith.constant 0 : i32
        %dma_wait3A_144 = tpu.memref_slice %arg9[%dma_wait3A_142, %dma_wait3A_143] : memref<128x128xf32, #tpu.memory_space<vmem>> -> memref<64x128xf32, #tpu.memory_space<vmem>>
        %dma_wait3A_145 = arith.constant 0 : i32
        %dma_wait3A_146 = arith.constant 0 : i32
        %dma_wait3A_147 = tpu.memref_slice %arg2[%dma_wait3A_145, %dma_wait3A_146] : memref<10000x128xf32, #tpu.memory_space<hbm>> -> memref<64x128xf32, #tpu.memory_space<hbm>>
        tpu.wait_dma2 semaphore(%arg12 : memref<!tpu.dma_semaphore, #tpu.memory_space<semaphore_mem>>) src(%dma_wait3A_147 : memref<64x128xf32, #tpu.memory_space<hbm>>) dst(%dma_wait3A_144 : memref<64x128xf32, #tpu.memory_space<vmem>>)
        %lt3A = arith.constant 27 : i32
        %lt3A_148 = arith.cmpi slt, %scan3A_76, %lt3A : i32
        %convert_element_type3A_149 = arith.extui %lt3A_148 : i1 to i32
        %cond3A_150 = arith.constant 0 : i32
        %cond3A_151 = arith.cmpi ne, %convert_element_type3A_149, %cond3A_150 : i32
        scf.if %cond3A_151 {
          %add3A_152 = arith.constant 2 : i32
          %add3A_153 = arith.addi %mul3A_78, %add3A_152 : i32
          %dma_start3A_154 = arith.constant 0 : i32
          %dma_start3A_155 = arith.constant 0 : i32
          %dma_start3A_156 = tpu.memref_slice %arg9[%dma_start3A_154, %dma_start3A_155] : memref<128x128xf32, #tpu.memory_space<vmem>> -> memref<64x128xf32, #tpu.memory_space<vmem>>
          %dma_start3A_157 = arith.constant 0 : i32
          %dma_start3A_158 = tpu.memref_slice %arg7[%add3A_153, %dma_start3A_157] : memref<64x128xi32, #tpu.memory_space<vmem>> -> memref<1x64xi32, #tpu.memory_space<vmem>>
          %dma_start3A_159 = tpu.memref_squeeze %dma_start3A_158 : memref<1x64xi32, #tpu.memory_space<vmem>> -> memref<64xi32, #tpu.memory_space<vmem>>
          %dma_start3A_160 = arith.constant 0 : i32
          %dma_start3A_161 = arith.constant 0 : i32
          %dma_start3A_162 = tpu.memref_slice %arg2[%dma_start3A_160, %dma_start3A_161] : memref<10000x128xf32, #tpu.memory_space<hbm>> -> memref<10000x128xf32, #tpu.memory_space<hbm>>
          tpu.enqueue_indirect_dma source(%dma_start3A_162 : memref<10000x128xf32, #tpu.memory_space<hbm>>) target(%dma_start3A_156 : memref<64x128xf32, #tpu.memory_space<vmem>>) offsets(%dma_start3A_159 : memref<64xi32, #tpu.memory_space<vmem>>) semaphore(%arg12 : memref<!tpu.dma_semaphore, #tpu.memory_space<semaphore_mem>>)
          %dma_start3A_163 = arith.constant 64 : i32
          %dma_start3A_164 = arith.constant 0 : i32
          %dma_start3A_165 = tpu.memref_slice %arg9[%dma_start3A_163, %dma_start3A_164] : memref<128x128xf32, #tpu.memory_space<vmem>> -> memref<64x128xf32, #tpu.memory_space<vmem>>
          %dma_start3A_166 = arith.constant 64 : i32
          %dma_start3A_167 = tpu.memref_slice %arg7[%add3A_153, %dma_start3A_166] : memref<64x128xi32, #tpu.memory_space<vmem>> -> memref<1x64xi32, #tpu.memory_space<vmem>>
          %dma_start3A_168 = tpu.memref_squeeze %dma_start3A_167 : memref<1x64xi32, #tpu.memory_space<vmem>> -> memref<64xi32, #tpu.memory_space<vmem>>
          %dma_start3A_169 = arith.constant 0 : i32
          %dma_start3A_170 = arith.constant 0 : i32
          %dma_start3A_171 = tpu.memref_slice %arg2[%dma_start3A_169, %dma_start3A_170] : memref<10000x128xf32, #tpu.memory_space<hbm>> -> memref<10000x128xf32, #tpu.memory_space<hbm>>
          tpu.enqueue_indirect_dma source(%dma_start3A_171 : memref<10000x128xf32, #tpu.memory_space<hbm>>) target(%dma_start3A_165 : memref<64x128xf32, #tpu.memory_space<vmem>>) offsets(%dma_start3A_168 : memref<64xi32, #tpu.memory_space<vmem>>) semaphore(%arg12 : memref<!tpu.dma_semaphore, #tpu.memory_space<semaphore_mem>>)
        } else {
        }
        "tpu.region"() ({
          %run_scoped3A = tpu.sem_alloc : memref<!tpu.dma_semaphore, #tpu.memory_space<semaphore_mem>>
          %dma_start3A_152 = arith.constant 0 : i32
          %dma_start3A_153 = tpu.memref_slice %arg8[%add3A_82, %dma_start3A_152] : memref<64x128xi32, #tpu.memory_space<vmem>> -> memref<1x128xi32, #tpu.memory_space<vmem>>
          %dma_start3A_154 = tpu.memref_squeeze %dma_start3A_153 : memref<1x128xi32, #tpu.memory_space<vmem>> -> memref<128xi32, #tpu.memory_space<vmem>>
          %dma_start3A_155 = arith.constant 0 : i32
          %dma_start3A_156 = arith.constant 0 : i32
          %dma_start3A_157 = tpu.memref_slice %arg11[%dma_start3A_155, %dma_start3A_156] : memref<10112x128xf32, #tpu.memory_space<vmem_shared>> -> memref<10112x128xf32, #tpu.memory_space<vmem_shared>>
          tpu.enqueue_indirect_dma source(%arg10 : memref<128x128xf32, #tpu.memory_space<vmem>>) target(%dma_start3A_157 : memref<10112x128xf32, #tpu.memory_space<vmem_shared>>) offsets(%dma_start3A_154 : memref<128xi32, #tpu.memory_space<vmem>>) semaphore(%run_scoped3A : memref<!tpu.dma_semaphore, #tpu.memory_space<semaphore_mem>>) {add = true}
          %dma_wait3A_158 = arith.constant 0 : i32
          %dma_wait3A_159 = tpu.memref_slice %arg8[%add3A_82, %dma_wait3A_158] : memref<64x128xi32, #tpu.memory_space<vmem>> -> memref<1x128xi32, #tpu.memory_space<vmem>>
          %dma_wait3A_160 = tpu.memref_squeeze %dma_wait3A_159 : memref<1x128xi32, #tpu.memory_space<vmem>> -> memref<128xi32, #tpu.memory_space<vmem>>
          %dma_wait3A_161 = arith.constant 0 : i32
          %dma_wait3A_162 = arith.constant 0 : i32
          %dma_wait3A_163 = tpu.memref_slice %arg11[%dma_wait3A_161, %dma_wait3A_162] : memref<10112x128xf32, #tpu.memory_space<vmem_shared>> -> memref<10112x128xf32, #tpu.memory_space<vmem_shared>>
          tpu.wait_indirect_dma semaphore(%run_scoped3A : memref<!tpu.dma_semaphore, #tpu.memory_space<semaphore_mem>>) src(%arg10 : memref<128x128xf32, #tpu.memory_space<vmem>>) dst(%dma_wait3A_163 : memref<10112x128xf32, #tpu.memory_space<vmem_shared>>)
          tpu.yield
        }) : () -> ()
      }
      %scan3A_45 = arith.constant 28 : i32
      %add3A_46 = arith.constant 56 : i32
      %add3A_47 = arith.addi %add3A_17, %add3A_46 : i32
      "tpu.region"() ({
        %run_scoped3A = tpu.sem_alloc : memref<!tpu.dma_semaphore, #tpu.memory_space<semaphore_mem>>
        %dma_start3A_76 = arith.constant 0 : i32
        %dma_start3A_77 = arith.constant 0 : i32
        %dma_start3A_78 = tpu.memref_slice %arg7[%dma_start3A_76, %dma_start3A_77] : memref<64x128xi32, #tpu.memory_space<vmem>> -> memref<56x128xi32, #tpu.memory_space<vmem>>
        %dma_start3A_79 = arith.constant 0 : i32
        %dma_start3A_80 = tpu.memref_slice %arg3[%add3A_47, %dma_start3A_79] : memref<2560x128xi32, #tpu.memory_space<hbm>> -> memref<56x128xi32, #tpu.memory_space<hbm>>
        %dma_start3A_81 = arith.constant 0 : i32
        %dma_start3A_82 = arith.constant 0 : i32
        %dma_start3A_83 = tpu.memref_slice %arg7[%dma_start3A_81, %dma_start3A_82] : memref<64x128xi32, #tpu.memory_space<vmem>> -> memref<56x128xi32, #tpu.memory_space<vmem>>
        %dma_start3A_84 = arith.constant 0 : i32
        %dma_start3A_85 = tpu.memref_slice %arg3[%add3A_47, %dma_start3A_84] : memref<2560x128xi32, #tpu.memory_space<hbm>> -> memref<56x128xi32, #tpu.memory_space<hbm>>
        tpu.enqueue_dma source(%dma_start3A_85 : memref<56x128xi32, #tpu.memory_space<hbm>>) target(%dma_start3A_83 : memref<56x128xi32, #tpu.memory_space<vmem>>) target_semaphore(%run_scoped3A : memref<!tpu.dma_semaphore, #tpu.memory_space<semaphore_mem>>)
        %dma_wait3A = arith.constant 0 : i32
        %dma_wait3A_86 = arith.constant 0 : i32
        %dma_wait3A_87 = tpu.memref_slice %arg7[%dma_wait3A, %dma_wait3A_86] : memref<64x128xi32, #tpu.memory_space<vmem>> -> memref<56x128xi32, #tpu.memory_space<vmem>>
        %dma_wait3A_88 = arith.constant 0 : i32
        %dma_wait3A_89 = tpu.memref_slice %arg3[%add3A_47, %dma_wait3A_88] : memref<2560x128xi32, #tpu.memory_space<hbm>> -> memref<56x128xi32, #tpu.memory_space<hbm>>
        %dma_wait3A_90 = arith.constant 0 : i32
        %dma_wait3A_91 = arith.constant 0 : i32
        %dma_wait3A_92 = tpu.memref_slice %arg7[%dma_wait3A_90, %dma_wait3A_91] : memref<64x128xi32, #tpu.memory_space<vmem>> -> memref<56x128xi32, #tpu.memory_space<vmem>>
        %dma_wait3A_93 = arith.constant 0 : i32
        %dma_wait3A_94 = tpu.memref_slice %arg3[%add3A_47, %dma_wait3A_93] : memref<2560x128xi32, #tpu.memory_space<hbm>> -> memref<56x128xi32, #tpu.memory_space<hbm>>
        tpu.wait_dma2 semaphore(%run_scoped3A : memref<!tpu.dma_semaphore, #tpu.memory_space<semaphore_mem>>) src(%dma_wait3A_94 : memref<56x128xi32, #tpu.memory_space<hbm>>) dst(%dma_wait3A_92 : memref<56x128xi32, #tpu.memory_space<vmem>>)
        tpu.yield
      }) : () -> ()
      %add3A_48 = arith.constant 56 : i32
      %add3A_49 = arith.addi %add3A_17, %add3A_48 : i32
      "tpu.region"() ({
        %run_scoped3A = tpu.sem_alloc : memref<!tpu.dma_semaphore, #tpu.memory_space<semaphore_mem>>
        %dma_start3A_76 = arith.constant 0 : i32
        %dma_start3A_77 = arith.constant 0 : i32
        %dma_start3A_78 = tpu.memref_slice %arg8[%dma_start3A_76, %dma_start3A_77] : memref<64x128xi32, #tpu.memory_space<vmem>> -> memref<56x128xi32, #tpu.memory_space<vmem>>
        %dma_start3A_79 = arith.constant 0 : i32
        %dma_start3A_80 = tpu.memref_slice %arg4[%add3A_49, %dma_start3A_79] : memref<2560x128xi32, #tpu.memory_space<hbm>> -> memref<56x128xi32, #tpu.memory_space<hbm>>
        %dma_start3A_81 = arith.constant 0 : i32
        %dma_start3A_82 = arith.constant 0 : i32
        %dma_start3A_83 = tpu.memref_slice %arg8[%dma_start3A_81, %dma_start3A_82] : memref<64x128xi32, #tpu.memory_space<vmem>> -> memref<56x128xi32, #tpu.memory_space<vmem>>
        %dma_start3A_84 = arith.constant 0 : i32
        %dma_start3A_85 = tpu.memref_slice %arg4[%add3A_49, %dma_start3A_84] : memref<2560x128xi32, #tpu.memory_space<hbm>> -> memref<56x128xi32, #tpu.memory_space<hbm>>
        tpu.enqueue_dma source(%dma_start3A_85 : memref<56x128xi32, #tpu.memory_space<hbm>>) target(%dma_start3A_83 : memref<56x128xi32, #tpu.memory_space<vmem>>) target_semaphore(%run_scoped3A : memref<!tpu.dma_semaphore, #tpu.memory_space<semaphore_mem>>)
        %dma_wait3A = arith.constant 0 : i32
        %dma_wait3A_86 = arith.constant 0 : i32
        %dma_wait3A_87 = tpu.memref_slice %arg8[%dma_wait3A, %dma_wait3A_86] : memref<64x128xi32, #tpu.memory_space<vmem>> -> memref<56x128xi32, #tpu.memory_space<vmem>>
        %dma_wait3A_88 = arith.constant 0 : i32
        %dma_wait3A_89 = tpu.memref_slice %arg4[%add3A_49, %dma_wait3A_88] : memref<2560x128xi32, #tpu.memory_space<hbm>> -> memref<56x128xi32, #tpu.memory_space<hbm>>
        %dma_wait3A_90 = arith.constant 0 : i32
        %dma_wait3A_91 = arith.constant 0 : i32
        %dma_wait3A_92 = tpu.memref_slice %arg8[%dma_wait3A_90, %dma_wait3A_91] : memref<64x128xi32, #tpu.memory_space<vmem>> -> memref<56x128xi32, #tpu.memory_space<vmem>>
        %dma_wait3A_93 = arith.constant 0 : i32
        %dma_wait3A_94 = tpu.memref_slice %arg4[%add3A_49, %dma_wait3A_93] : memref<2560x128xi32, #tpu.memory_space<hbm>> -> memref<56x128xi32, #tpu.memory_space<hbm>>
        tpu.wait_dma2 semaphore(%run_scoped3A : memref<!tpu.dma_semaphore, #tpu.memory_space<semaphore_mem>>) src(%dma_wait3A_94 : memref<56x128xi32, #tpu.memory_space<hbm>>) dst(%dma_wait3A_92 : memref<56x128xi32, #tpu.memory_space<vmem>>)
        tpu.yield
      }) : () -> ()
      %dma_start3A_50 = arith.constant 0 : i32
      %dma_start3A_51 = arith.constant 0 : i32
      %dma_start3A_52 = arith.constant 0 : i32
      %dma_start3A_53 = tpu.memref_slice %arg9[%dma_start3A_51, %dma_start3A_52] : memref<128x128xf32, #tpu.memory_space<vmem>> -> memref<64x128xf32, #tpu.memory_space<vmem>>
      %dma_start3A_54 = arith.constant 0 : i32
      %dma_start3A_55 = tpu.memref_slice %arg7[%dma_start3A_50, %dma_start3A_54] : memref<64x128xi32, #tpu.memory_space<vmem>> -> memref<1x64xi32, #tpu.memory_space<vmem>>
      %dma_start3A_56 = tpu.memref_squeeze %dma_start3A_55 : memref<1x64xi32, #tpu.memory_space<vmem>> -> memref<64xi32, #tpu.memory_space<vmem>>
      %dma_start3A_57 = arith.constant 0 : i32
      %dma_start3A_58 = arith.constant 0 : i32
      %dma_start3A_59 = tpu.memref_slice %arg2[%dma_start3A_57, %dma_start3A_58] : memref<10000x128xf32, #tpu.memory_space<hbm>> -> memref<10000x128xf32, #tpu.memory_space<hbm>>
      tpu.enqueue_indirect_dma source(%dma_start3A_59 : memref<10000x128xf32, #tpu.memory_space<hbm>>) target(%dma_start3A_53 : memref<64x128xf32, #tpu.memory_space<vmem>>) offsets(%dma_start3A_56 : memref<64xi32, #tpu.memory_space<vmem>>) semaphore(%arg12 : memref<!tpu.dma_semaphore, #tpu.memory_space<semaphore_mem>>)
      %dma_start3A_60 = arith.constant 0 : i32
      %dma_start3A_61 = arith.constant 64 : i32
      %dma_start3A_62 = arith.constant 0 : i32
      %dma_start3A_63 = tpu.memref_slice %arg9[%dma_start3A_61, %dma_start3A_62] : memref<128x128xf32, #tpu.memory_space<vmem>> -> memref<64x128xf32, #tpu.memory_space<vmem>>
      %dma_start3A_64 = arith.constant 64 : i32
      %dma_start3A_65 = tpu.memref_slice %arg7[%dma_start3A_60, %dma_start3A_64] : memref<64x128xi32, #tpu.memory_space<vmem>> -> memref<1x64xi32, #tpu.memory_space<vmem>>
      %dma_start3A_66 = tpu.memref_squeeze %dma_start3A_65 : memref<1x64xi32, #tpu.memory_space<vmem>> -> memref<64xi32, #tpu.memory_space<vmem>>
      %dma_start3A_67 = arith.constant 0 : i32
      %dma_start3A_68 = arith.constant 0 : i32
      %dma_start3A_69 = tpu.memref_slice %arg2[%dma_start3A_67, %dma_start3A_68] : memref<10000x128xf32, #tpu.memory_space<hbm>> -> memref<10000x128xf32, #tpu.memory_space<hbm>>
      tpu.enqueue_indirect_dma source(%dma_start3A_69 : memref<10000x128xf32, #tpu.memory_space<hbm>>) target(%dma_start3A_63 : memref<64x128xf32, #tpu.memory_space<vmem>>) offsets(%dma_start3A_66 : memref<64xi32, #tpu.memory_space<vmem>>) semaphore(%arg12 : memref<!tpu.dma_semaphore, #tpu.memory_space<semaphore_mem>>)
      %scan3A_70 = arith.constant 0 : i32
      %scan3A_71 = arith.constant 0 : i32
      %scan3A_72 = arith.constant 28 : i32
      %scan3A_73 = arith.addi %scan3A_71, %scan3A_72 : i32
      %scan3A_74 = arith.constant 1 : i32
      scf.for %scan3A_76 = %scan3A_71 to %scan3A_73 step %scan3A_74  : i32 {
        %mul3A_77 = arith.constant 2 : i32
        %mul3A_78 = arith.muli %mul3A_77, %scan3A_76 : i32
        %mul3A_79 = arith.constant 2 : i32
        %mul3A_80 = arith.muli %mul3A_79, %scan3A_76 : i32
        %add3A_81 = arith.constant 1 : i32
        %add3A_82 = arith.addi %mul3A_80, %add3A_81 : i32
        %dma_wait3A = arith.constant 0 : i32
        %dma_wait3A_83 = arith.constant 0 : i32
        %dma_wait3A_84 = tpu.memref_slice %arg9[%dma_wait3A, %dma_wait3A_83] : memref<128x128xf32, #tpu.memory_space<vmem>> -> memref<64x128xf32, #tpu.memory_space<vmem>>
        %dma_wait3A_85 = arith.constant 0 : i32
        %dma_wait3A_86 = arith.constant 0 : i32
        %dma_wait3A_87 = tpu.memref_slice %arg2[%dma_wait3A_85, %dma_wait3A_86] : memref<10000x128xf32, #tpu.memory_space<hbm>> -> memref<64x128xf32, #tpu.memory_space<hbm>>
        %dma_wait3A_88 = arith.constant 0 : i32
        %dma_wait3A_89 = arith.constant 0 : i32
        %dma_wait3A_90 = tpu.memref_slice %arg9[%dma_wait3A_88, %dma_wait3A_89] : memref<128x128xf32, #tpu.memory_space<vmem>> -> memref<64x128xf32, #tpu.memory_space<vmem>>
        %dma_wait3A_91 = arith.constant 0 : i32
        %dma_wait3A_92 = arith.constant 0 : i32
        %dma_wait3A_93 = tpu.memref_slice %arg2[%dma_wait3A_91, %dma_wait3A_92] : memref<10000x128xf32, #tpu.memory_space<hbm>> -> memref<64x128xf32, #tpu.memory_space<hbm>>
        tpu.wait_dma2 semaphore(%arg12 : memref<!tpu.dma_semaphore, #tpu.memory_space<semaphore_mem>>) src(%dma_wait3A_93 : memref<64x128xf32, #tpu.memory_space<hbm>>) dst(%dma_wait3A_90 : memref<64x128xf32, #tpu.memory_space<vmem>>)
        %dma_wait3A_94 = arith.constant 0 : i32
        %dma_wait3A_95 = arith.constant 0 : i32
        %dma_wait3A_96 = tpu.memref_slice %arg9[%dma_wait3A_94, %dma_wait3A_95] : memref<128x128xf32, #tpu.memory_space<vmem>> -> memref<64x128xf32, #tpu.memory_space<vmem>>
        %dma_wait3A_97 = arith.constant 0 : i32
        %dma_wait3A_98 = arith.constant 0 : i32
        %dma_wait3A_99 = tpu.memref_slice %arg2[%dma_wait3A_97, %dma_wait3A_98] : memref<10000x128xf32, #tpu.memory_space<hbm>> -> memref<64x128xf32, #tpu.memory_space<hbm>>
        %dma_wait3A_100 = arith.constant 0 : i32
        %dma_wait3A_101 = arith.constant 0 : i32
        %dma_wait3A_102 = tpu.memref_slice %arg9[%dma_wait3A_100, %dma_wait3A_101] : memref<128x128xf32, #tpu.memory_space<vmem>> -> memref<64x128xf32, #tpu.memory_space<vmem>>
        %dma_wait3A_103 = arith.constant 0 : i32
        %dma_wait3A_104 = arith.constant 0 : i32
        %dma_wait3A_105 = tpu.memref_slice %arg2[%dma_wait3A_103, %dma_wait3A_104] : memref<10000x128xf32, #tpu.memory_space<hbm>> -> memref<64x128xf32, #tpu.memory_space<hbm>>
        tpu.wait_dma2 semaphore(%arg12 : memref<!tpu.dma_semaphore, #tpu.memory_space<semaphore_mem>>) src(%dma_wait3A_105 : memref<64x128xf32, #tpu.memory_space<hbm>>) dst(%dma_wait3A_102 : memref<64x128xf32, #tpu.memory_space<vmem>>)
        %dma_start3A_106 = arith.constant 0 : i32
        %dma_start3A_107 = arith.constant 0 : i32
        %dma_start3A_108 = tpu.memref_slice %arg10[%dma_start3A_106, %dma_start3A_107] : memref<128x128xf32, #tpu.memory_space<vmem>> -> memref<64x128xf32, #tpu.memory_space<vmem>>
        %dma_start3A_109 = arith.constant 0 : i32
        %dma_start3A_110 = tpu.memref_slice %arg7[%add3A_82, %dma_start3A_109] : memref<64x128xi32, #tpu.memory_space<vmem>> -> memref<1x64xi32, #tpu.memory_space<vmem>>
        %dma_start3A_111 = tpu.memref_squeeze %dma_start3A_110 : memref<1x64xi32, #tpu.memory_space<vmem>> -> memref<64xi32, #tpu.memory_space<vmem>>
        %dma_start3A_112 = arith.constant 0 : i32
        %dma_start3A_113 = arith.constant 0 : i32
        %dma_start3A_114 = tpu.memref_slice %arg2[%dma_start3A_112, %dma_start3A_113] : memref<10000x128xf32, #tpu.memory_space<hbm>> -> memref<10000x128xf32, #tpu.memory_space<hbm>>
        tpu.enqueue_indirect_dma source(%dma_start3A_114 : memref<10000x128xf32, #tpu.memory_space<hbm>>) target(%dma_start3A_108 : memref<64x128xf32, #tpu.memory_space<vmem>>) offsets(%dma_start3A_111 : memref<64xi32, #tpu.memory_space<vmem>>) semaphore(%arg12 : memref<!tpu.dma_semaphore, #tpu.memory_space<semaphore_mem>>)
        %dma_start3A_115 = arith.constant 64 : i32
        %dma_start3A_116 = arith.constant 0 : i32
        %dma_start3A_117 = tpu.memref_slice %arg10[%dma_start3A_115, %dma_start3A_116] : memref<128x128xf32, #tpu.memory_space<vmem>> -> memref<64x128xf32, #tpu.memory_space<vmem>>
        %dma_start3A_118 = arith.constant 64 : i32
        %dma_start3A_119 = tpu.memref_slice %arg7[%add3A_82, %dma_start3A_118] : memref<64x128xi32, #tpu.memory_space<vmem>> -> memref<1x64xi32, #tpu.memory_space<vmem>>
        %dma_start3A_120 = tpu.memref_squeeze %dma_start3A_119 : memref<1x64xi32, #tpu.memory_space<vmem>> -> memref<64xi32, #tpu.memory_space<vmem>>
        %dma_start3A_121 = arith.constant 0 : i32
        %dma_start3A_122 = arith.constant 0 : i32
        %dma_start3A_123 = tpu.memref_slice %arg2[%dma_start3A_121, %dma_start3A_122] : memref<10000x128xf32, #tpu.memory_space<hbm>> -> memref<10000x128xf32, #tpu.memory_space<hbm>>
        tpu.enqueue_indirect_dma source(%dma_start3A_123 : memref<10000x128xf32, #tpu.memory_space<hbm>>) target(%dma_start3A_117 : memref<64x128xf32, #tpu.memory_space<vmem>>) offsets(%dma_start3A_120 : memref<64xi32, #tpu.memory_space<vmem>>) semaphore(%arg12 : memref<!tpu.dma_semaphore, #tpu.memory_space<semaphore_mem>>)
        "tpu.region"() ({
          %run_scoped3A = tpu.sem_alloc : memref<!tpu.dma_semaphore, #tpu.memory_space<semaphore_mem>>
          %dma_start3A_152 = arith.constant 0 : i32
          %dma_start3A_153 = tpu.memref_slice %arg8[%mul3A_78, %dma_start3A_152] : memref<64x128xi32, #tpu.memory_space<vmem>> -> memref<1x128xi32, #tpu.memory_space<vmem>>
          %dma_start3A_154 = tpu.memref_squeeze %dma_start3A_153 : memref<1x128xi32, #tpu.memory_space<vmem>> -> memref<128xi32, #tpu.memory_space<vmem>>
          %dma_start3A_155 = arith.constant 0 : i32
          %dma_start3A_156 = arith.constant 0 : i32
          %dma_start3A_157 = tpu.memref_slice %arg11[%dma_start3A_155, %dma_start3A_156] : memref<10112x128xf32, #tpu.memory_space<vmem_shared>> -> memref<10112x128xf32, #tpu.memory_space<vmem_shared>>
          tpu.enqueue_indirect_dma source(%arg9 : memref<128x128xf32, #tpu.memory_space<vmem>>) target(%dma_start3A_157 : memref<10112x128xf32, #tpu.memory_space<vmem_shared>>) offsets(%dma_start3A_154 : memref<128xi32, #tpu.memory_space<vmem>>) semaphore(%run_scoped3A : memref<!tpu.dma_semaphore, #tpu.memory_space<semaphore_mem>>) {add = true}
          %dma_wait3A_158 = arith.constant 0 : i32
          %dma_wait3A_159 = tpu.memref_slice %arg8[%mul3A_78, %dma_wait3A_158] : memref<64x128xi32, #tpu.memory_space<vmem>> -> memref<1x128xi32, #tpu.memory_space<vmem>>
          %dma_wait3A_160 = tpu.memref_squeeze %dma_wait3A_159 : memref<1x128xi32, #tpu.memory_space<vmem>> -> memref<128xi32, #tpu.memory_space<vmem>>
          %dma_wait3A_161 = arith.constant 0 : i32
          %dma_wait3A_162 = arith.constant 0 : i32
          %dma_wait3A_163 = tpu.memref_slice %arg11[%dma_wait3A_161, %dma_wait3A_162] : memref<10112x128xf32, #tpu.memory_space<vmem_shared>> -> memref<10112x128xf32, #tpu.memory_space<vmem_shared>>
          tpu.wait_indirect_dma semaphore(%run_scoped3A : memref<!tpu.dma_semaphore, #tpu.memory_space<semaphore_mem>>) src(%arg9 : memref<128x128xf32, #tpu.memory_space<vmem>>) dst(%dma_wait3A_163 : memref<10112x128xf32, #tpu.memory_space<vmem_shared>>)
          tpu.yield
        }) : () -> ()
        %dma_wait3A_124 = arith.constant 0 : i32
        %dma_wait3A_125 = arith.constant 0 : i32
        %dma_wait3A_126 = tpu.memref_slice %arg9[%dma_wait3A_124, %dma_wait3A_125] : memref<128x128xf32, #tpu.memory_space<vmem>> -> memref<64x128xf32, #tpu.memory_space<vmem>>
        %dma_wait3A_127 = arith.constant 0 : i32
        %dma_wait3A_128 = arith.constant 0 : i32
        %dma_wait3A_129 = tpu.memref_slice %arg2[%dma_wait3A_127, %dma_wait3A_128] : memref<10000x128xf32, #tpu.memory_space<hbm>> -> memref<64x128xf32, #tpu.memory_space<hbm>>
        %dma_wait3A_130 = arith.constant 0 : i32
        %dma_wait3A_131 = arith.constant 0 : i32
        %dma_wait3A_132 = tpu.memref_slice %arg9[%dma_wait3A_130, %dma_wait3A_131] : memref<128x128xf32, #tpu.memory_space<vmem>> -> memref<64x128xf32, #tpu.memory_space<vmem>>
        %dma_wait3A_133 = arith.constant 0 : i32
        %dma_wait3A_134 = arith.constant 0 : i32
        %dma_wait3A_135 = tpu.memref_slice %arg2[%dma_wait3A_133, %dma_wait3A_134] : memref<10000x128xf32, #tpu.memory_space<hbm>> -> memref<64x128xf32, #tpu.memory_space<hbm>>
        tpu.wait_dma2 semaphore(%arg12 : memref<!tpu.dma_semaphore, #tpu.memory_space<semaphore_mem>>) src(%dma_wait3A_135 : memref<64x128xf32, #tpu.memory_space<hbm>>) dst(%dma_wait3A_132 : memref<64x128xf32, #tpu.memory_space<vmem>>)
        %dma_wait3A_136 = arith.constant 0 : i32
        %dma_wait3A_137 = arith.constant 0 : i32
        %dma_wait3A_138 = tpu.memref_slice %arg9[%dma_wait3A_136, %dma_wait3A_137] : memref<128x128xf32, #tpu.memory_space<vmem>> -> memref<64x128xf32, #tpu.memory_space<vmem>>
        %dma_wait3A_139 = arith.constant 0 : i32
        %dma_wait3A_140 = arith.constant 0 : i32
        %dma_wait3A_141 = tpu.memref_slice %arg2[%dma_wait3A_139, %dma_wait3A_140] : memref<10000x128xf32, #tpu.memory_space<hbm>> -> memref<64x128xf32, #tpu.memory_space<hbm>>
        %dma_wait3A_142 = arith.constant 0 : i32
        %dma_wait3A_143 = arith.constant 0 : i32
        %dma_wait3A_144 = tpu.memref_slice %arg9[%dma_wait3A_142, %dma_wait3A_143] : memref<128x128xf32, #tpu.memory_space<vmem>> -> memref<64x128xf32, #tpu.memory_space<vmem>>
        %dma_wait3A_145 = arith.constant 0 : i32
        %dma_wait3A_146 = arith.constant 0 : i32
        %dma_wait3A_147 = tpu.memref_slice %arg2[%dma_wait3A_145, %dma_wait3A_146] : memref<10000x128xf32, #tpu.memory_space<hbm>> -> memref<64x128xf32, #tpu.memory_space<hbm>>
        tpu.wait_dma2 semaphore(%arg12 : memref<!tpu.dma_semaphore, #tpu.memory_space<semaphore_mem>>) src(%dma_wait3A_147 : memref<64x128xf32, #tpu.memory_space<hbm>>) dst(%dma_wait3A_144 : memref<64x128xf32, #tpu.memory_space<vmem>>)
        %lt3A = arith.constant 27 : i32
        %lt3A_148 = arith.cmpi slt, %scan3A_76, %lt3A : i32
        %convert_element_type3A_149 = arith.extui %lt3A_148 : i1 to i32
        %cond3A_150 = arith.constant 0 : i32
        %cond3A_151 = arith.cmpi ne, %convert_element_type3A_149, %cond3A_150 : i32
        scf.if %cond3A_151 {
          %add3A_152 = arith.constant 2 : i32
          %add3A_153 = arith.addi %mul3A_78, %add3A_152 : i32
          %dma_start3A_154 = arith.constant 0 : i32
          %dma_start3A_155 = arith.constant 0 : i32
          %dma_start3A_156 = tpu.memref_slice %arg9[%dma_start3A_154, %dma_start3A_155] : memref<128x128xf32, #tpu.memory_space<vmem>> -> memref<64x128xf32, #tpu.memory_space<vmem>>
          %dma_start3A_157 = arith.constant 0 : i32
          %dma_start3A_158 = tpu.memref_slice %arg7[%add3A_153, %dma_start3A_157] : memref<64x128xi32, #tpu.memory_space<vmem>> -> memref<1x64xi32, #tpu.memory_space<vmem>>
          %dma_start3A_159 = tpu.memref_squeeze %dma_start3A_158 : memref<1x64xi32, #tpu.memory_space<vmem>> -> memref<64xi32, #tpu.memory_space<vmem>>
          %dma_start3A_160 = arith.constant 0 : i32
          %dma_start3A_161 = arith.constant 0 : i32
          %dma_start3A_162 = tpu.memref_slice %arg2[%dma_start3A_160, %dma_start3A_161] : memref<10000x128xf32, #tpu.memory_space<hbm>> -> memref<10000x128xf32, #tpu.memory_space<hbm>>
          tpu.enqueue_indirect_dma source(%dma_start3A_162 : memref<10000x128xf32, #tpu.memory_space<hbm>>) target(%dma_start3A_156 : memref<64x128xf32, #tpu.memory_space<vmem>>) offsets(%dma_start3A_159 : memref<64xi32, #tpu.memory_space<vmem>>) semaphore(%arg12 : memref<!tpu.dma_semaphore, #tpu.memory_space<semaphore_mem>>)
          %dma_start3A_163 = arith.constant 64 : i32
          %dma_start3A_164 = arith.constant 0 : i32
          %dma_start3A_165 = tpu.memref_slice %arg9[%dma_start3A_163, %dma_start3A_164] : memref<128x128xf32, #tpu.memory_space<vmem>> -> memref<64x128xf32, #tpu.memory_space<vmem>>
          %dma_start3A_166 = arith.constant 64 : i32
          %dma_start3A_167 = tpu.memref_slice %arg7[%add3A_153, %dma_start3A_166] : memref<64x128xi32, #tpu.memory_space<vmem>> -> memref<1x64xi32, #tpu.memory_space<vmem>>
          %dma_start3A_168 = tpu.memref_squeeze %dma_start3A_167 : memref<1x64xi32, #tpu.memory_space<vmem>> -> memref<64xi32, #tpu.memory_space<vmem>>
          %dma_start3A_169 = arith.constant 0 : i32
          %dma_start3A_170 = arith.constant 0 : i32
          %dma_start3A_171 = tpu.memref_slice %arg2[%dma_start3A_169, %dma_start3A_170] : memref<10000x128xf32, #tpu.memory_space<hbm>> -> memref<10000x128xf32, #tpu.memory_space<hbm>>
          tpu.enqueue_indirect_dma source(%dma_start3A_171 : memref<10000x128xf32, #tpu.memory_space<hbm>>) target(%dma_start3A_165 : memref<64x128xf32, #tpu.memory_space<vmem>>) offsets(%dma_start3A_168 : memref<64xi32, #tpu.memory_space<vmem>>) semaphore(%arg12 : memref<!tpu.dma_semaphore, #tpu.memory_space<semaphore_mem>>)
        } else {
        }
        "tpu.region"() ({
          %run_scoped3A = tpu.sem_alloc : memref<!tpu.dma_semaphore, #tpu.memory_space<semaphore_mem>>
          %dma_start3A_152 = arith.constant 0 : i32
          %dma_start3A_153 = tpu.memref_slice %arg8[%add3A_82, %dma_start3A_152] : memref<64x128xi32, #tpu.memory_space<vmem>> -> memref<1x128xi32, #tpu.memory_space<vmem>>
          %dma_start3A_154 = tpu.memref_squeeze %dma_start3A_153 : memref<1x128xi32, #tpu.memory_space<vmem>> -> memref<128xi32, #tpu.memory_space<vmem>>
          %dma_start3A_155 = arith.constant 0 : i32
          %dma_start3A_156 = arith.constant 0 : i32
          %dma_start3A_157 = tpu.memref_slice %arg11[%dma_start3A_155, %dma_start3A_156] : memref<10112x128xf32, #tpu.memory_space<vmem_shared>> -> memref<10112x128xf32, #tpu.memory_space<vmem_shared>>
          tpu.enqueue_indirect_dma source(%arg10 : memref<128x128xf32, #tpu.memory_space<vmem>>) target(%dma_start3A_157 : memref<10112x128xf32, #tpu.memory_space<vmem_shared>>) offsets(%dma_start3A_154 : memref<128xi32, #tpu.memory_space<vmem>>) semaphore(%run_scoped3A : memref<!tpu.dma_semaphore, #tpu.memory_space<semaphore_mem>>) {add = true}
          %dma_wait3A_158 = arith.constant 0 : i32
          %dma_wait3A_159 = tpu.memref_slice %arg8[%add3A_82, %dma_wait3A_158] : memref<64x128xi32, #tpu.memory_space<vmem>> -> memref<1x128xi32, #tpu.memory_space<vmem>>
          %dma_wait3A_160 = tpu.memref_squeeze %dma_wait3A_159 : memref<1x128xi32, #tpu.memory_space<vmem>> -> memref<128xi32, #tpu.memory_space<vmem>>
          %dma_wait3A_161 = arith.constant 0 : i32
          %dma_wait3A_162 = arith.constant 0 : i32
          %dma_wait3A_163 = tpu.memref_slice %arg11[%dma_wait3A_161, %dma_wait3A_162] : memref<10112x128xf32, #tpu.memory_space<vmem_shared>> -> memref<10112x128xf32, #tpu.memory_space<vmem_shared>>
          tpu.wait_indirect_dma semaphore(%run_scoped3A : memref<!tpu.dma_semaphore, #tpu.memory_space<semaphore_mem>>) src(%arg10 : memref<128x128xf32, #tpu.memory_space<vmem>>) dst(%dma_wait3A_163 : memref<10112x128xf32, #tpu.memory_space<vmem_shared>>)
          tpu.yield
        }) : () -> ()
      }
      %scan3A_75 = arith.constant 28 : i32
    } else {
    }
    %barrier3A_10 = arith.constant 0 : index
    tpu.barrier barrier_id(%barrier3A_10)
    %mul3A_11 = arith.constant 632 : i32
    %mul3A_12 = arith.muli %arg1, %mul3A_11 : i32
    %mul3A_13 = arith.constant 632 : i32
    %mul3A_14 = arith.muli %arg1, %mul3A_13 : i32
    "tpu.region"() ({
      %run_scoped3A = tpu.sem_alloc : memref<!tpu.dma_semaphore, #tpu.memory_space<semaphore_mem>>
      %dma_start3A = arith.constant 0 : i32
      %dma_start3A_15 = tpu.memref_slice %arg6[%arg0, %mul3A_14, %dma_start3A] : memref<2x10112x128xf32, #tpu.memory_space<hbm>> -> memref<1x632x128xf32, #tpu.memory_space<hbm>>
      %dma_start3A_16 = tpu.memref_squeeze %dma_start3A_15 : memref<1x632x128xf32, #tpu.memory_space<hbm>> -> memref<632x128xf32, #tpu.memory_space<hbm>>
      %dma_start3A_17 = arith.constant 0 : i32
      %dma_start3A_18 = tpu.memref_slice %arg11[%mul3A_12, %dma_start3A_17] : memref<10112x128xf32, #tpu.memory_space<vmem_shared>> -> memref<632x128xf32, #tpu.memory_space<vmem_shared>>
      tpu.enqueue_dma source(%dma_start3A_18 : memref<632x128xf32, #tpu.memory_space<vmem_shared>>) target(%dma_start3A_16 : memref<632x128xf32, #tpu.memory_space<hbm>>) target_semaphore(%run_scoped3A : memref<!tpu.dma_semaphore, #tpu.memory_space<semaphore_mem>>)
      %dma_wait3A = arith.constant 0 : i32
      %dma_wait3A_19 = tpu.memref_slice %arg6[%arg0, %mul3A_14, %dma_wait3A] : memref<2x10112x128xf32, #tpu.memory_space<hbm>> -> memref<1x632x128xf32, #tpu.memory_space<hbm>>
      %dma_wait3A_20 = tpu.memref_squeeze %dma_wait3A_19 : memref<1x632x128xf32, #tpu.memory_space<hbm>> -> memref<632x128xf32, #tpu.memory_space<hbm>>
      %dma_wait3A_21 = arith.constant 0 : i32
      %dma_wait3A_22 = tpu.memref_slice %arg11[%mul3A_12, %dma_wait3A_21] : memref<10112x128xf32, #tpu.memory_space<vmem_shared>> -> memref<632x128xf32, #tpu.memory_space<vmem_shared>>
      tpu.wait_dma2 semaphore(%run_scoped3A : memref<!tpu.dma_semaphore, #tpu.memory_space<semaphore_mem>>) src(%dma_wait3A_22 : memref<632x128xf32, #tpu.memory_space<vmem_shared>>) dst(%dma_wait3A_20 : memref<632x128xf32, #tpu.memory_space<hbm>>)
      tpu.yield
    }) : () -> ()
    return
  }
}

#map = affine_map<(d0, d1) -> (0, 0, 0)>
#map1 = affine_map<(d0, d1) -> (0)>
module attributes {stable_mosaic.version = 14 : i64} {
  func.func @_deg_body(%arg0: i32, %arg1: i32, %arg2: memref<32x80x128xi32, #tpu.memory_space<hbm>>, %arg3: memref<10240xf32, #tpu.memory_space<hbm>>, %arg4: memref<20480xf32, #tpu.memory_space<hbm>>, %arg5: memref<80x128xi32, #tpu.memory_space<vmem>>, %arg6: memref<128xf32, #tpu.memory_space<vmem>>, %arg7: memref<10240xf32, #tpu.memory_space<vmem_shared>>, %arg8: memref<!tpu.dma_semaphore, #tpu.memory_space<semaphore_mem>>) attributes {dimension_semantics = [#tpu.dimension_semantics<core_parallel>, #tpu.dimension_semantics<subcore_parallel>], iteration_bounds = array<i64: 2, 16>, scalar_prefetch = 0 : i64, scratch_operands = 4 : i64, tpu.core_type = #tpu.core_type<sc_vector_subcore>, window_params = [{transform_indices = #map}, {transform_indices = #map1}, {transform_indices = #map1}]} {
    %mul3A = arith.constant 16 : i32
    %mul3A_0 = arith.muli %arg0, %mul3A : i32
    %add3A = arith.addi %mul3A_0, %arg1 : i32
    "tpu.region"() ({
      %run_scoped3A = tpu.sem_alloc : memref<!tpu.dma_semaphore, #tpu.memory_space<semaphore_mem>>
      %dma_start3A = arith.constant 0 : i32
      %dma_start3A_64 = arith.constant 0 : i32
      %dma_start3A_65 = tpu.memref_slice %arg2[%add3A, %dma_start3A, %dma_start3A_64] : memref<32x80x128xi32, #tpu.memory_space<hbm>> -> memref<1x80x128xi32, #tpu.memory_space<hbm>>
      %dma_start3A_66 = tpu.memref_squeeze %dma_start3A_65 : memref<1x80x128xi32, #tpu.memory_space<hbm>> -> memref<80x128xi32, #tpu.memory_space<hbm>>
      %dma_start3A_67 = arith.constant 0 : i32
      %dma_start3A_68 = arith.constant 0 : i32
      %dma_start3A_69 = tpu.memref_slice %arg2[%add3A, %dma_start3A_67, %dma_start3A_68] : memref<32x80x128xi32, #tpu.memory_space<hbm>> -> memref<1x80x128xi32, #tpu.memory_space<hbm>>
      %dma_start3A_70 = tpu.memref_squeeze %dma_start3A_69 : memref<1x80x128xi32, #tpu.memory_space<hbm>> -> memref<80x128xi32, #tpu.memory_space<hbm>>
      tpu.enqueue_dma source(%dma_start3A_70 : memref<80x128xi32, #tpu.memory_space<hbm>>) target(%arg5 : memref<80x128xi32, #tpu.memory_space<vmem>>) target_semaphore(%run_scoped3A : memref<!tpu.dma_semaphore, #tpu.memory_space<semaphore_mem>>)
      %dma_wait3A = arith.constant 0 : i32
      %dma_wait3A_71 = arith.constant 0 : i32
      %dma_wait3A_72 = tpu.memref_slice %arg2[%add3A, %dma_wait3A, %dma_wait3A_71] : memref<32x80x128xi32, #tpu.memory_space<hbm>> -> memref<1x80x128xi32, #tpu.memory_space<hbm>>
      %dma_wait3A_73 = tpu.memref_squeeze %dma_wait3A_72 : memref<1x80x128xi32, #tpu.memory_space<hbm>> -> memref<80x128xi32, #tpu.memory_space<hbm>>
      %dma_wait3A_74 = arith.constant 0 : i32
      %dma_wait3A_75 = arith.constant 0 : i32
      %dma_wait3A_76 = tpu.memref_slice %arg2[%add3A, %dma_wait3A_74, %dma_wait3A_75] : memref<32x80x128xi32, #tpu.memory_space<hbm>> -> memref<1x80x128xi32, #tpu.memory_space<hbm>>
      %dma_wait3A_77 = tpu.memref_squeeze %dma_wait3A_76 : memref<1x80x128xi32, #tpu.memory_space<hbm>> -> memref<80x128xi32, #tpu.memory_space<hbm>>
      tpu.wait_dma2 semaphore(%run_scoped3A : memref<!tpu.dma_semaphore, #tpu.memory_space<semaphore_mem>>) src(%dma_wait3A_77 : memref<80x128xi32, #tpu.memory_space<hbm>>) dst(%arg5 : memref<80x128xi32, #tpu.memory_space<vmem>>)
      tpu.yield
    }) : () -> ()
    %broadcast_in_dim3A = arith.constant 1.000000e+00 : f32
    %broadcast_in_dim3A_1 = vector.broadcast %broadcast_in_dim3A : f32 to vector<16xf32>
    %swap3A = arith.constant 0 : index
    %swap3A_2 = tpu.vector_load %arg6[%swap3A] {strides = array<i32>} : memref<128xf32, #tpu.memory_space<vmem>>, vector<16xf32>,
    %swap3A_3 = vector.shape_cast %swap3A_2 : vector<16xf32> to vector<16xf32>
    %swap3A_4 = vector.shape_cast %broadcast_in_dim3A_1 : vector<16xf32> to vector<16xf32>
    tpu.vector_store %arg6[%swap3A], %swap3A_4 {strides = array<i32>} : memref<128xf32, #tpu.memory_space<vmem>>, vector<16xf32>,
    %broadcast_in_dim3A_5 = arith.constant 1.000000e+00 : f32
    %broadcast_in_dim3A_6 = vector.broadcast %broadcast_in_dim3A_5 : f32 to vector<16xf32>
    %swap3A_7 = arith.constant 16 : index
    %swap3A_8 = tpu.vector_load %arg6[%swap3A_7] {strides = array<i32>} : memref<128xf32, #tpu.memory_space<vmem>>, vector<16xf32>,
    %swap3A_9 = vector.shape_cast %swap3A_8 : vector<16xf32> to vector<16xf32>
    %swap3A_10 = vector.shape_cast %broadcast_in_dim3A_6 : vector<16xf32> to vector<16xf32>
    tpu.vector_store %arg6[%swap3A_7], %swap3A_10 {strides = array<i32>} : memref<128xf32, #tpu.memory_space<vmem>>, vector<16xf32>,
    %broadcast_in_dim3A_11 = arith.constant 1.000000e+00 : f32
    %broadcast_in_dim3A_12 = vector.broadcast %broadcast_in_dim3A_11 : f32 to vector<16xf32>
    %swap3A_13 = arith.constant 32 : index
    %swap3A_14 = tpu.vector_load %arg6[%swap3A_13] {strides = array<i32>} : memref<128xf32, #tpu.memory_space<vmem>>, vector<16xf32>,
    %swap3A_15 = vector.shape_cast %swap3A_14 : vector<16xf32> to vector<16xf32>
    %swap3A_16 = vector.shape_cast %broadcast_in_dim3A_12 : vector<16xf32> to vector<16xf32>
    tpu.vector_store %arg6[%swap3A_13], %swap3A_16 {strides = array<i32>} : memref<128xf32, #tpu.memory_space<vmem>>, vector<16xf32>,
    %broadcast_in_dim3A_17 = arith.constant 1.000000e+00 : f32
    %broadcast_in_dim3A_18 = vector.broadcast %broadcast_in_dim3A_17 : f32 to vector<16xf32>
    %swap3A_19 = arith.constant 48 : index
    %swap3A_20 = tpu.vector_load %arg6[%swap3A_19] {strides = array<i32>} : memref<128xf32, #tpu.memory_space<vmem>>, vector<16xf32>,
    %swap3A_21 = vector.shape_cast %swap3A_20 : vector<16xf32> to vector<16xf32>
    %swap3A_22 = vector.shape_cast %broadcast_in_dim3A_18 : vector<16xf32> to vector<16xf32>
    tpu.vector_store %arg6[%swap3A_19], %swap3A_22 {strides = array<i32>} : memref<128xf32, #tpu.memory_space<vmem>>, vector<16xf32>,
    %broadcast_in_dim3A_23 = arith.constant 1.000000e+00 : f32
    %broadcast_in_dim3A_24 = vector.broadcast %broadcast_in_dim3A_23 : f32 to vector<16xf32>
    %swap3A_25 = arith.constant 64 : index
    %swap3A_26 = tpu.vector_load %arg6[%swap3A_25] {strides = array<i32>} : memref<128xf32, #tpu.memory_space<vmem>>, vector<16xf32>,
    %swap3A_27 = vector.shape_cast %swap3A_26 : vector<16xf32> to vector<16xf32>
    %swap3A_28 = vector.shape_cast %broadcast_in_dim3A_24 : vector<16xf32> to vector<16xf32>
    tpu.vector_store %arg6[%swap3A_25], %swap3A_28 {strides = array<i32>} : memref<128xf32, #tpu.memory_space<vmem>>, vector<16xf32>,
    %broadcast_in_dim3A_29 = arith.constant 1.000000e+00 : f32
    %broadcast_in_dim3A_30 = vector.broadcast %broadcast_in_dim3A_29 : f32 to vector<16xf32>
    %swap3A_31 = arith.constant 80 : index
    %swap3A_32 = tpu.vector_load %arg6[%swap3A_31] {strides = array<i32>} : memref<128xf32, #tpu.memory_space<vmem>>, vector<16xf32>,
    %swap3A_33 = vector.shape_cast %swap3A_32 : vector<16xf32> to vector<16xf32>
    %swap3A_34 = vector.shape_cast %broadcast_in_dim3A_30 : vector<16xf32> to vector<16xf32>
    tpu.vector_store %arg6[%swap3A_31], %swap3A_34 {strides = array<i32>} : memref<128xf32, #tpu.memory_space<vmem>>, vector<16xf32>,
    %broadcast_in_dim3A_35 = arith.constant 1.000000e+00 : f32
    %broadcast_in_dim3A_36 = vector.broadcast %broadcast_in_dim3A_35 : f32 to vector<16xf32>
    %swap3A_37 = arith.constant 96 : index
    %swap3A_38 = tpu.vector_load %arg6[%swap3A_37] {strides = array<i32>} : memref<128xf32, #tpu.memory_space<vmem>>, vector<16xf32>,
    %swap3A_39 = vector.shape_cast %swap3A_38 : vector<16xf32> to vector<16xf32>
    %swap3A_40 = vector.shape_cast %broadcast_in_dim3A_36 : vector<16xf32> to vector<16xf32>
    tpu.vector_store %arg6[%swap3A_37], %swap3A_40 {strides = array<i32>} : memref<128xf32, #tpu.memory_space<vmem>>, vector<16xf32>,
    %broadcast_in_dim3A_41 = arith.constant 1.000000e+00 : f32
    %broadcast_in_dim3A_42 = vector.broadcast %broadcast_in_dim3A_41 : f32 to vector<16xf32>
    %swap3A_43 = arith.constant 112 : index
    %swap3A_44 = tpu.vector_load %arg6[%swap3A_43] {strides = array<i32>} : memref<128xf32, #tpu.memory_space<vmem>>, vector<16xf32>,
    %swap3A_45 = vector.shape_cast %swap3A_44 : vector<16xf32> to vector<16xf32>
    %swap3A_46 = vector.shape_cast %broadcast_in_dim3A_42 : vector<16xf32> to vector<16xf32>
    tpu.vector_store %arg6[%swap3A_43], %swap3A_46 {strides = array<i32>} : memref<128xf32, #tpu.memory_space<vmem>>, vector<16xf32>,
    %mul3A_47 = arith.constant 640 : i32
    %mul3A_48 = arith.muli %arg1, %mul3A_47 : i32
    %mul3A_49 = arith.constant 640 : i32
    %mul3A_50 = arith.muli %arg1, %mul3A_49 : i32
    "tpu.region"() ({
      %run_scoped3A = tpu.sem_alloc : memref<!tpu.dma_semaphore, #tpu.memory_space<semaphore_mem>>
      %dma_start3A = tpu.memref_slice %arg7[%mul3A_50] : memref<10240xf32, #tpu.memory_space<vmem_shared>> -> memref<640xf32, #tpu.memory_space<vmem_shared>>
      %dma_start3A_64 = tpu.memref_slice %arg3[%mul3A_48] : memref<10240xf32, #tpu.memory_space<hbm>> -> memref<640xf32, #tpu.memory_space<hbm>>
      tpu.enqueue_dma source(%dma_start3A_64 : memref<640xf32, #tpu.memory_space<hbm>>) target(%dma_start3A : memref<640xf32, #tpu.memory_space<vmem_shared>>) target_semaphore(%run_scoped3A : memref<!tpu.dma_semaphore, #tpu.memory_space<semaphore_mem>>)
      %dma_wait3A = tpu.memref_slice %arg7[%mul3A_50] : memref<10240xf32, #tpu.memory_space<vmem_shared>> -> memref<640xf32, #tpu.memory_space<vmem_shared>>
      %dma_wait3A_65 = tpu.memref_slice %arg3[%mul3A_48] : memref<10240xf32, #tpu.memory_space<hbm>> -> memref<640xf32, #tpu.memory_space<hbm>>
      tpu.wait_dma2 semaphore(%run_scoped3A : memref<!tpu.dma_semaphore, #tpu.memory_space<semaphore_mem>>) src(%dma_wait3A_65 : memref<640xf32, #tpu.memory_space<hbm>>) dst(%dma_wait3A : memref<640xf32, #tpu.memory_space<vmem_shared>>)
      tpu.yield
    }) : () -> ()
    %barrier3A = arith.constant 0 : index
    tpu.barrier barrier_id(%barrier3A)
    %scan3A = arith.constant 0 : i32
    %scan3A_51 = arith.constant 0 : i32
    %scan3A_52 = arith.constant 80 : i32
    %scan3A_53 = arith.addi %scan3A_51, %scan3A_52 : i32
    %scan3A_54 = arith.constant 1 : i32
    scf.for %scan3A_64 = %scan3A_51 to %scan3A_53 step %scan3A_54  : i32 {
      "tpu.region"() ({
        %run_scoped3A = tpu.sem_alloc : memref<!tpu.dma_semaphore, #tpu.memory_space<semaphore_mem>>
        %dma_start3A = arith.constant 0 : i32
        %dma_start3A_65 = tpu.memref_slice %arg5[%scan3A_64, %dma_start3A] : memref<80x128xi32, #tpu.memory_space<vmem>> -> memref<1x128xi32, #tpu.memory_space<vmem>>
        %dma_start3A_66 = tpu.memref_squeeze %dma_start3A_65 : memref<1x128xi32, #tpu.memory_space<vmem>> -> memref<128xi32, #tpu.memory_space<vmem>>
        %dma_start3A_67 = arith.constant 0 : i32
        %dma_start3A_68 = tpu.memref_slice %arg7[%dma_start3A_67] : memref<10240xf32, #tpu.memory_space<vmem_shared>> -> memref<10240xf32, #tpu.memory_space<vmem_shared>>
        tpu.enqueue_indirect_dma source(%arg6 : memref<128xf32, #tpu.memory_space<vmem>>) target(%dma_start3A_68 : memref<10240xf32, #tpu.memory_space<vmem_shared>>) offsets(%dma_start3A_66 : memref<128xi32, #tpu.memory_space<vmem>>) semaphore(%run_scoped3A : memref<!tpu.dma_semaphore, #tpu.memory_space<semaphore_mem>>) {add = true}
        %dma_wait3A = arith.constant 0 : i32
        %dma_wait3A_69 = tpu.memref_slice %arg5[%scan3A_64, %dma_wait3A] : memref<80x128xi32, #tpu.memory_space<vmem>> -> memref<1x128xi32, #tpu.memory_space<vmem>>
        %dma_wait3A_70 = tpu.memref_squeeze %dma_wait3A_69 : memref<1x128xi32, #tpu.memory_space<vmem>> -> memref<128xi32, #tpu.memory_space<vmem>>
        %dma_wait3A_71 = arith.constant 0 : i32
        %dma_wait3A_72 = tpu.memref_slice %arg7[%dma_wait3A_71] : memref<10240xf32, #tpu.memory_space<vmem_shared>> -> memref<10240xf32, #tpu.memory_space<vmem_shared>>
        tpu.wait_indirect_dma semaphore(%run_scoped3A : memref<!tpu.dma_semaphore, #tpu.memory_space<semaphore_mem>>) src(%arg6 : memref<128xf32, #tpu.memory_space<vmem>>) dst(%dma_wait3A_72 : memref<10240xf32, #tpu.memory_space<vmem_shared>>)
        tpu.yield
      }) : () -> ()
    }
    %scan3A_55 = arith.constant 80 : i32
    %barrier3A_56 = arith.constant 0 : index
    tpu.barrier barrier_id(%barrier3A_56)
    %mul3A_57 = arith.constant 640 : i32
    %mul3A_58 = arith.muli %arg1, %mul3A_57 : i32
    %mul3A_59 = arith.constant 10240 : i32
    %mul3A_60 = arith.muli %arg0, %mul3A_59 : i32
    %mul3A_61 = arith.constant 640 : i32
    %mul3A_62 = arith.muli %arg1, %mul3A_61 : i32
    %add3A_63 = arith.addi %mul3A_60, %mul3A_62 : i32
    "tpu.region"() ({
      %run_scoped3A = tpu.sem_alloc : memref<!tpu.dma_semaphore, #tpu.memory_space<semaphore_mem>>
      %dma_start3A = tpu.memref_slice %arg4[%add3A_63] : memref<20480xf32, #tpu.memory_space<hbm>> -> memref<640xf32, #tpu.memory_space<hbm>>
      %dma_start3A_64 = tpu.memref_slice %arg7[%mul3A_58] : memref<10240xf32, #tpu.memory_space<vmem_shared>> -> memref<640xf32, #tpu.memory_space<vmem_shared>>
      tpu.enqueue_dma source(%dma_start3A_64 : memref<640xf32, #tpu.memory_space<vmem_shared>>) target(%dma_start3A : memref<640xf32, #tpu.memory_space<hbm>>) target_semaphore(%run_scoped3A : memref<!tpu.dma_semaphore, #tpu.memory_space<semaphore_mem>>)
      %dma_wait3A = tpu.memref_slice %arg4[%add3A_63] : memref<20480xf32, #tpu.memory_space<hbm>> -> memref<640xf32, #tpu.memory_space<hbm>>
      %dma_wait3A_65 = tpu.memref_slice %arg7[%mul3A_58] : memref<10240xf32, #tpu.memory_space<vmem_shared>> -> memref<640xf32, #tpu.memory_space<vmem_shared>>
      tpu.wait_dma2 semaphore(%run_scoped3A : memref<!tpu.dma_semaphore, #tpu.memory_space<semaphore_mem>>) src(%dma_wait3A_65 : memref<640xf32, #tpu.memory_space<vmem_shared>>) dst(%dma_wait3A : memref<640xf32, #tpu.memory_space<hbm>>)
      tpu.yield
    }) : () -> ()
    return
  }
}

module attributes {stable_mosaic.version = 14 : i64} {
  func.func @_mm_body(%arg0: i32, %arg1: memref<2000x128xf32, #tpu.memory_space<vmem>>, %arg2: memref<128x128xf32, #tpu.memory_space<vmem>>, %arg3: memref<2000x128xf32, #tpu.memory_space<vmem>>) attributes {dimension_semantics = [#tpu.dimension_semantics<arbitrary>], iteration_bounds = array<i64: 5>, scalar_prefetch = 0 : i64, scratch_operands = 0 : i64, tpu.core_type = #tpu.core_type<tc>, window_params = [{transform_indices = @transform_0, window_bounds = array<i64: 2000, 128>}, {pipeline_mode = #tpu.pipeline_mode<synchronous>, transform_indices = @transform_1, window_bounds = array<i64: 128, 128>}, {transform_indices = @transform_2, window_bounds = array<i64: 2000, 128>}]} {
    %get3A = arith.constant 0 : index
    %get3A_0 = arith.constant 0 : index
    %get3A_1 = vector.load %arg1[%get3A, %get3A_0] : memref<2000x128xf32, #tpu.memory_space<vmem>>, vector<2000x128xf32>
    %get3A_2 = arith.constant 0 : index
    %get3A_3 = arith.constant 0 : index
    %get3A_4 = vector.load %arg2[%get3A_2, %get3A_3] : memref<128x128xf32, #tpu.memory_space<vmem>>, vector<128x128xf32>
    %dot_general3A = arith.constant dense<0.000000e+00> : vector<2000x128xf32>
    %dot_general3A_5 = tpu.matmul %get3A_1, %get3A_4, %dot_general3A {dimension_numbers = #tpu.dot_dimension_numbers<[1], [0], [0], [1], [0, 0, 1, 1], [], []>, transpose_lhs_hint = false} : vector<2000x128xf32>, vector<128x128xf32>, vector<2000x128xf32> -> vector<2000x128xf32>
    %swap3A = arith.constant 0 : index
    %swap3A_6 = arith.constant 0 : index
    %swap3A_7 = vector.load %arg3[%swap3A, %swap3A_6] : memref<2000x128xf32, #tpu.memory_space<vmem>>, vector<2000x128xf32>
    tpu.vector_store %arg3[%swap3A, %swap3A_6], %dot_general3A_5 {strides = array<i32>} : memref<2000x128xf32, #tpu.memory_space<vmem>>, vector<2000x128xf32>,
    return
  }
  func.func @transform_0(%arg0: i32) -> (i32, i32) {
    %c0_i32 = arith.constant 0 : i32
    %c0_i32_0 = arith.constant 0 : i32
    return %arg0, %c0_i32 : i32, i32
  }
  func.func @transform_1(%arg0: i32) -> (i32, i32) {
    %c0_i32 = arith.constant 0 : i32
    %c0_i32_0 = arith.constant 0 : i32
    %c0_i32_1 = arith.constant 0 : i32
    return %c0_i32, %c0_i32_0 : i32, i32
  }
  func.func @transform_2(%arg0: i32) -> (i32, i32) {
    %c0_i32 = arith.constant 0 : i32
    %c0_i32_0 = arith.constant 0 : i32
    return %arg0, %c0_i32 : i32, i32
  }
}

module attributes {stable_mosaic.version = 14 : i64} {
  func.func @_scale_body(%arg0: i32, %arg1: memref<2x2000x1xf32, #tpu.memory_space<vmem>>, %arg2: memref<2000x128xf32, #tpu.memory_space<vmem>>, %arg3: memref<2000x128xf32, #tpu.memory_space<vmem>>) attributes {dimension_semantics = [#tpu.dimension_semantics<arbitrary>], iteration_bounds = array<i64: 5>, scalar_prefetch = 0 : i64, scratch_operands = 0 : i64, tpu.core_type = #tpu.core_type<tc>, window_params = [{transform_indices = @transform_0, window_bounds = array<i64: 2, 2000, 1>}, {transform_indices = @transform_1, window_bounds = array<i64: 2000, 128>}, {transform_indices = @transform_2, window_bounds = array<i64: 2000, 128>}]} {
    %get3A = arith.constant 0 : index
    %get3A_0 = arith.constant 0 : index
    %get3A_1 = arith.constant 0 : index
    %get3A_2 = vector.load %arg1[%get3A, %get3A_0, %get3A_1] : memref<2x2000x1xf32, #tpu.memory_space<vmem>>, vector<1x2000x1xf32>
    %get3A_3 = vector.shape_cast %get3A_2 : vector<1x2000x1xf32> to vector<2000x1xf32>
    %get3A_4 = arith.constant 1 : index
    %get3A_5 = arith.constant 0 : index
    %get3A_6 = arith.constant 0 : index
    %get3A_7 = vector.load %arg1[%get3A_4, %get3A_5, %get3A_6] : memref<2x2000x1xf32, #tpu.memory_space<vmem>>, vector<1x2000x1xf32>
    %get3A_8 = vector.shape_cast %get3A_7 : vector<1x2000x1xf32> to vector<2000x1xf32>
    %add3A = arith.addf %get3A_3, %get3A_8 : vector<2000x1xf32>
    %add3A_9 = arith.constant 1.000000e+00 : f32
    %add3A_10 = vector.broadcast %add3A_9 : f32 to vector<2000x1xf32>
    %add3A_11 = arith.addf %add3A, %add3A_10 : vector<2000x1xf32>
    %rsqrt3A = math.rsqrt %add3A_11 : vector<2000x1xf32>
    %get3A_12 = arith.constant 0 : index
    %get3A_13 = arith.constant 0 : index
    %get3A_14 = vector.load %arg2[%get3A_12, %get3A_13] : memref<2000x128xf32, #tpu.memory_space<vmem>>, vector<2000x128xf32>
    %mul3A = vector.broadcast %rsqrt3A : vector<2000x1xf32> to vector<2000x128xf32>
    %mul3A_15 = arith.mulf %get3A_14, %mul3A : vector<2000x128xf32>
    %swap3A = arith.constant 0 : index
    %swap3A_16 = arith.constant 0 : index
    %swap3A_17 = vector.load %arg3[%swap3A, %swap3A_16] : memref<2000x128xf32, #tpu.memory_space<vmem>>, vector<2000x128xf32>
    tpu.vector_store %arg3[%swap3A, %swap3A_16], %mul3A_15 {strides = array<i32>} : memref<2000x128xf32, #tpu.memory_space<vmem>>, vector<2000x128xf32>,
    return
  }
  func.func @transform_0(%arg0: i32) -> (i32, i32, i32) {
    %c0_i32 = arith.constant 0 : i32
    %c0_i32_0 = arith.constant 0 : i32
    %c0_i32_1 = arith.constant 0 : i32
    return %c0_i32, %arg0, %c0_i32_0 : i32, i32, i32
  }
  func.func @transform_1(%arg0: i32) -> (i32, i32) {
    %c0_i32 = arith.constant 0 : i32
    %c0_i32_0 = arith.constant 0 : i32
    return %arg0, %c0_i32 : i32, i32
  }
  func.func @transform_2(%arg0: i32) -> (i32, i32) {
    %c0_i32 = arith.constant 0 : i32
    %c0_i32_0 = arith.constant 0 : i32
    return %arg0, %c0_i32 : i32, i32
  }
}

module attributes {stable_mosaic.version = 14 : i64} {
  func.func @_out_body(%arg0: i32, %arg1: memref<2x2000x1xf32, #tpu.memory_space<vmem>>, %arg2: memref<2x2000x128xf32, #tpu.memory_space<vmem>>, %arg3: memref<2000x128xf32, #tpu.memory_space<vmem>>, %arg4: memref<1x128xf32, #tpu.memory_space<vmem>>, %arg5: memref<2000x128xf32, #tpu.memory_space<vmem>>) attributes {dimension_semantics = [#tpu.dimension_semantics<arbitrary>], iteration_bounds = array<i64: 5>, scalar_prefetch = 0 : i64, scratch_operands = 0 : i64, tpu.core_type = #tpu.core_type<tc>, window_params = [{transform_indices = @transform_0, window_bounds = array<i64: 2, 2000, 1>}, {transform_indices = @transform_1, window_bounds = array<i64: 2, 2000, 128>}, {transform_indices = @transform_2, window_bounds = array<i64: 2000, 128>}, {pipeline_mode = #tpu.pipeline_mode<synchronous>, transform_indices = @transform_3, window_bounds = array<i64: 1, 128>}, {transform_indices = @transform_4, window_bounds = array<i64: 2000, 128>}]} {
    %get3A = arith.constant 0 : index
    %get3A_0 = arith.constant 0 : index
    %get3A_1 = arith.constant 0 : index
    %get3A_2 = vector.load %arg1[%get3A, %get3A_0, %get3A_1] : memref<2x2000x1xf32, #tpu.memory_space<vmem>>, vector<1x2000x1xf32>
    %get3A_3 = vector.shape_cast %get3A_2 : vector<1x2000x1xf32> to vector<2000x1xf32>
    %get3A_4 = arith.constant 1 : index
    %get3A_5 = arith.constant 0 : index
    %get3A_6 = arith.constant 0 : index
    %get3A_7 = vector.load %arg1[%get3A_4, %get3A_5, %get3A_6] : memref<2x2000x1xf32, #tpu.memory_space<vmem>>, vector<1x2000x1xf32>
    %get3A_8 = vector.shape_cast %get3A_7 : vector<1x2000x1xf32> to vector<2000x1xf32>
    %add3A = arith.addf %get3A_3, %get3A_8 : vector<2000x1xf32>
    %add3A_9 = arith.constant 1.000000e+00 : f32
    %add3A_10 = vector.broadcast %add3A_9 : f32 to vector<2000x1xf32>
    %add3A_11 = arith.addf %add3A, %add3A_10 : vector<2000x1xf32>
    %rsqrt3A = math.rsqrt %add3A_11 : vector<2000x1xf32>
    %get3A_12 = arith.constant 0 : index
    %get3A_13 = arith.constant 0 : index
    %get3A_14 = arith.constant 0 : index
    %get3A_15 = vector.load %arg2[%get3A_12, %get3A_13, %get3A_14] : memref<2x2000x128xf32, #tpu.memory_space<vmem>>, vector<1x2000x128xf32>
    %get3A_16 = vector.shape_cast %get3A_15 : vector<1x2000x128xf32> to vector<2000x128xf32>
    %get3A_17 = arith.constant 1 : index
    %get3A_18 = arith.constant 0 : index
    %get3A_19 = arith.constant 0 : index
    %get3A_20 = vector.load %arg2[%get3A_17, %get3A_18, %get3A_19] : memref<2x2000x128xf32, #tpu.memory_space<vmem>>, vector<1x2000x128xf32>
    %get3A_21 = vector.shape_cast %get3A_20 : vector<1x2000x128xf32> to vector<2000x128xf32>
    %add3A_22 = arith.addf %get3A_16, %get3A_21 : vector<2000x128xf32>
    %get3A_23 = arith.constant 0 : index
    %get3A_24 = arith.constant 0 : index
    %get3A_25 = vector.load %arg3[%get3A_23, %get3A_24] : memref<2000x128xf32, #tpu.memory_space<vmem>>, vector<2000x128xf32>
    %add3A_26 = arith.addf %add3A_22, %get3A_25 : vector<2000x128xf32>
    %mul3A = vector.broadcast %rsqrt3A : vector<2000x1xf32> to vector<2000x128xf32>
    %mul3A_27 = arith.mulf %mul3A, %add3A_26 : vector<2000x128xf32>
    %get3A_28 = arith.constant 0 : index
    %get3A_29 = arith.constant 0 : index
    %get3A_30 = vector.load %arg4[%get3A_28, %get3A_29] : memref<1x128xf32, #tpu.memory_space<vmem>>, vector<1x128xf32>
    %add3A_31 = vector.broadcast %get3A_30 : vector<1x128xf32> to vector<2000x128xf32>
    %add3A_32 = arith.addf %mul3A_27, %add3A_31 : vector<2000x128xf32>
    %swap3A = arith.constant 0 : index
    %swap3A_33 = arith.constant 0 : index
    %swap3A_34 = vector.load %arg5[%swap3A, %swap3A_33] : memref<2000x128xf32, #tpu.memory_space<vmem>>, vector<2000x128xf32>
    tpu.vector_store %arg5[%swap3A, %swap3A_33], %add3A_32 {strides = array<i32>} : memref<2000x128xf32, #tpu.memory_space<vmem>>, vector<2000x128xf32>,
    return
  }
  func.func @transform_0(%arg0: i32) -> (i32, i32, i32) {
    %c0_i32 = arith.constant 0 : i32
    %c0_i32_0 = arith.constant 0 : i32
    %c0_i32_1 = arith.constant 0 : i32
    return %c0_i32, %arg0, %c0_i32_0 : i32, i32, i32
  }
  func.func @transform_1(%arg0: i32) -> (i32, i32, i32) {
    %c0_i32 = arith.constant 0 : i32
    %c0_i32_0 = arith.constant 0 : i32
    %c0_i32_1 = arith.constant 0 : i32
    return %c0_i32, %arg0, %c0_i32_0 : i32, i32, i32
  }
  func.func @transform_2(%arg0: i32) -> (i32, i32) {
    %c0_i32 = arith.constant 0 : i32
    %c0_i32_0 = arith.constant 0 : i32
    return %arg0, %c0_i32 : i32, i32
  }
  func.func @transform_3(%arg0: i32) -> (i32, i32) {
    %c0_i32 = arith.constant 0 : i32
    %c0_i32_0 = arith.constant 0 : i32
    %c0_i32_1 = arith.constant 0 : i32
    return %c0_i32, %c0_i32_0 : i32, i32
  }
  func.func @transform_4(%arg0: i32) -> (i32, i32) {
    %c0_i32 = arith.constant 0 : i32
    %c0_i32_0 = arith.constant 0 : i32
    return %arg0, %c0_i32 : i32, i32
  }
}

</mosaic_0001>

<sc_bundles>
// kernel: kernel.10.cloned.1.call-start
scs
__scs_entry_jumppad:
0x0: {  	(pc) =	sbr.rel $0x88, $3  }
0x1: {  	(tag) =	ssettag $0x0;
	lr =	simm.s32 $0x1  }
0x2: {  	[smem:$0x3F9D] =	sst lr;
	_ =	strace $0xD0000000  }
0x3: {  	_ = 	snop  }
0x4: {  	_ = 	snop  }
0x5: {  	_ = 	snop  }
0x6: {  	_ = 	snop  }
0x7: {  	_ = 	snop  }
__scs_overlays_trampoline_lowered:
0x8: {  	[smem:$0x3FAC] =	sst s0  }
0x9: {  	[smem:$0x3FAD] =	sst s1  }
0xa: {  	[smem:$0x3FAE] =	sst s2  }
0xb: {  	[smem:$0x3FAF] =	sst s3  }
0xc: {  	[smem:$0x3FB0] =	sst s4  }
0xd: {  	[smem:$0x3FB1] =	sst s5  }
0xe: {  	[smem:$0x3FB2] =	sst s6  }
0xf: {  	[smem:$0x3FB3] =	sst s7  }
0x10: {  	[smem:$0x3FB4] =	sst s8  }
0x11: {  	[smem:$0x3FB5] =	sst s9;
	s0 =	simm.s32 @!p0 $0x0  }
0x12: {  	s1 =	sld [smem:$0x3F9B];
	s0 =	simm.s32 @p0 $0x1  }
0x13: {  	[smem:$0x3FB6] =	sst s0;
	s0 =	simm.s32 @!p1 $0x0  }
0x14: {  	s2 =	sld [smem:$0x3F9A];
	s0 =	simm.s32 @p1 $0x1  }
0x15: {  	[smem:$0x3FB7] =	sst s0;
	s0 =	simm.s32 @!p2 $0x0  }
0x16: {  	s3 =	sld [smem:$0x3FDB];
	s0 =	simm.s32 @p2 $0x1  }
0x17: {  	s4 =	simm.s32 $0x1BF5;
	[smem:$0x3FB9] =	sst s0  }
0x18: {  	s0 =	sld [smem:$0x3F9C];
	_ =	swait.ge [sflag:s4], $0x0  }
0x19: {  	s7 =	sld [smem:$0x3F9D]  }
0x1a: {  	s8 =	sadd.s32 $0xFFFFE003, lr  }
0x1b: {  	s9 =	sadd.s32 $0xFFFFFEF7, lr;
	s5 =	simm.s32 $0xFFFFFFFF;
	p2 =	slt.u32 s8, $0xFFFFF086  }
0x1c: {  	p1 =	slt.u32 s9, $0xF7A;
	s5 =	simm.s32 @!p2 $0x0  }
0x1d: {  	s5 =	simm.s32 @p1 $0x1;
	p0 =	seq.s32 s7, s2  }
0x1e: {  	s7 =	smul.u32 @!p0 $0xF7A, s2;
	p2 =	seq.s32 @!p0 s5, $0x0  }
0x1f: {  	s9 =	smul.u32 $0xF7A, s1;
	s8 =	simm.s32 @!p0 $0x1BF5;
	p2 =	por !p2, p0  }
0x20: {  	[sflag:s8] =	ssyncset.s32 @!p0 $0xFFFFF086;
	s6 =	sadd.s32 @!p0 s3, s7;
	s7 =	simm.s32 @!p0 $0x108  }
0x21: {  	s3 =	sadd.s32 s3, s9;
	s6 =	sadd.s32 @!p0 $0x88, s6;
	s7 =	simm.s32 @p2 $0x1082  }
0x22: {  	[simem:s7], [sflag:s8] =	dma.local @!p0 [hbm:s6], $0xF7A  }
0x23: {  	s9 =	sor.u32 $0xD0000000, s2;
	s6 =	simm.s32 $0x108;
	_ =	swait.ge @!p0 [sflag:s8], $0x0  }
0x24: {  	s3 =	sadd.s32 $0x88, s3;
	s6 =	simm.s32 @!p1 $0x1082;
	[sflag:s4] =	ssyncset.s32 $0xFFFFF086  }
0x25: {  	[simem:s6], [sflag:s4] =	dma.local [hbm:s3], $0xF7A  }
0x26: {  	[smem:$0x3F9D] =	sst s1;
	(tag) =	ssettag s2;
	_ =	strace s9  }
0x27: {  	s1 =	sld [smem:$0x3FAD]  }
0x28: {  	s2 =	sld [smem:$0x3FAE]  }
0x29: {  	s4 =	sld [smem:$0x3FB0]  }
0x2a: {  	p0 =	seq.s32 s5, $0x0;
	s5 =	sld [smem:$0x3FB1]  }
0x2b: {  	s6 =	sld [smem:$0x3FB2]  }
0x2c: {  	s7 =	sld [smem:$0x3FB3]  }
0x2d: {  	s3 =	simm.s32 $0x108;
	s8 =	sld [smem:$0x3FB4]  }
0x2e: {  	s3 =	simm.s32 @!p0 $0x1082;
	s9 =	sld [smem:$0x3FB5]  }
0x2f: {  	lr =	sadd.s32 s0, s3;
	s0 =	sld [smem:$0x3FAC]  }
0x30: {  	s3 =	sld [smem:$0x3FAF]  }
0x31: {  	[smem:$0x3FB8] =	sst s10  }
0x32: {  	s10 =	sld [smem:$0x3FB6];
	_ =	sdelay $0x3  }
0x33: {  	p0 =	seq.s32 s10, $0x1;
	s10 =	sld [smem:$0x3FB8];
	_ =	sdelay $0x3  }
0x34: {  	[smem:$0x3FB8] =	sst s10  }
0x35: {  	s10 =	sld [smem:$0x3FB7];
	_ =	sdelay $0x3  }
0x36: {  	p1 =	seq.s32 s10, $0x1;
	s10 =	sld [smem:$0x3FB8];
	_ =	sdelay $0x3  }
0x37: {  	[smem:$0x3FB8] =	sst s10  }
0x38: {  	s10 =	sld [smem:$0x3FB9]  }
0x39: {  	_ = 	snop;
	(pc) =	sbr.ind lr, $3  }
0x3a: {  	_ = 	snop  }
0x3b: {  	_ = 	snop  }
0x3c: {  	p2 =	seq.s32 s10, $0x1;
	s10 =	sld [smem:$0x3FB8]  }
0x3d: {  	_ =	shalt  }
0x3e: {  	_ =	shalt  }
0x3f: {  	_ =	shalt  }
0x40: {  	_ =	shalt  }
0x41: {  	_ =	shalt  }
0x42: {  	_ =	shalt  }
0x43: {  	_ =	shalt  }
0x44: {  	_ =	shalt  }
0x45: {  	_ =	shalt  }
0x46: {  	_ =	shalt  }
0x47: {  	_ =	shalt  }
0x48: {  	_ =	shalt  }
0x49: {  	_ =	shalt  }
0x4a: {  	_ =	shalt  }
0x4b: {  	_ =	shalt  }
0x4c: {  	_ =	shalt  }
0x4d: {  	_ =	shalt  }
0x4e: {  	_ =	shalt  }
0x4f: {  	_ =	shalt  }
0x50: {  	_ =	shalt  }
0x51: {  	_ =	shalt  }
0x52: {  	_ =	shalt  }
0x53: {  	_ =	shalt  }
0x54: {  	_ =	shalt  }
0x55: {  	_ =	shalt  }
0x56: {  	_ =	shalt  }
0x57: {  	_ =	shalt  }
0x58: {  	_ =	shalt  }
0x59: {  	_ =	shalt  }
0x5a: {  	_ =	shalt  }
0x5b: {  	_ =	shalt  }
0x5c: {  	_ =	shalt  }
0x5d: {  	_ =	shalt  }
0x5e: {  	_ =	shalt  }
0x5f: {  	_ =	shalt  }
0x60: {  	_ =	shalt  }
0x61: {  	_ =	shalt  }
0x62: {  	_ =	shalt  }
0x63: {  	_ =	shalt  }
0x64: {  	_ =	shalt  }
0x65: {  	_ =	shalt  }
0x66: {  	_ =	shalt  }
0x67: {  	_ =	shalt  }
0x68: {  	_ =	shalt  }
0x69: {  	_ =	shalt  }
0x6a: {  	_ =	shalt  }
0x6b: {  	_ =	shalt  }
0x6c: {  	_ =	shalt  }
0x6d: {  	_ =	shalt  }
0x6e: {  	_ =	shalt  }
0x6f: {  	_ =	shalt  }
0x70: {  	_ =	shalt  }
0x71: {  	_ =	shalt  }
0x72: {  	_ =	shalt  }
0x73: {  	_ =	shalt  }
0x74: {  	_ =	shalt  }
0x75: {  	_ =	shalt  }
0x76: {  	_ =	shalt  }
0x77: {  	_ =	shalt  }
0x78: {  	_ =	shalt  }
0x79: {  	_ =	shalt  }
0x7a: {  	_ =	shalt  }
0x7b: {  	_ =	shalt  }
0x7c: {  	_ =	shalt  }
0x7d: {  	_ =	shalt  }
0x7e: {  	_ =	shalt  }
0x7f: {  	_ =	shalt  }
0x80: {  	_ =	shalt  }
0x81: {  	_ =	shalt  }
0x82: {  	_ =	shalt  }
0x83: {  	_ =	shalt  }
0x84: {  	_ =	shalt  }
0x85: {  	_ =	shalt  }
0x86: {  	_ =	shalt  }
0x87: {  	_ =	shalt  }
.Lfunc_end0:
.L_simem_size_0:
called_computation.1_lowered:
.L_overlay_start_0:
0x88: {  	s2 =	sld [smem:$0x3FD9]  }
0x89: {  	s3 =	sld [smem:$0x3FFE];
	_ =	sdelay $0x1  }
0x8a: {  	s1 =	srdreg.scid  }
0x8b: {  	s0 =	sand.u32 $0x1, s1  }
0x8c: {  	s17 =	sshll.u32 s0, $0xA;
	s2 =	sadd.s32 s3, s2  }
0x8d: {  	s2 =	sadd.s32 s2, s17  }
0x8e: {  	[smem:$0x3FC4] =	sst s2  }
0x8f: {  	_ = 	snop  }
0x90: {  	s2 =	sld [smem:$0x3FD0];
	(tm) =	ssettm $0x1  }
0x91: {  	s18 =	sld [smem:$0x3FFB];
	_ =	sdelay $0x3  }
0x92: {  	_ =	strace s18  }
0x93: {  	s3 =	sld [smem:$0x3FFC];
	_ =	sdelay $0x3  }
0x94: {  	_ =	strace s3  }
0x95: {  	s3 =	sld [smem:$0x3FFD];
	_ =	sdelay $0x3  }
0x96: {  	_ =	strace s3  }
0x97: {  	_ =	strace $0x8FFFFFFF  }
0x98: {  	s19 =	sld [smem:$0x3FDB];
	_ =	sdelay $0x1  }
0x99: {  	s4 =	simm.s32 $_scs_section_size  }
0x9a: {  	s5 =	simm.s32 $_size__tile_overlayer_lowered;
	s6 =	simm.s32 $_tile_overlayer_lowered  }
0x9b: {  	s22 =	simm.s32 $0x1BFF;
	s21 =	sshll.u32 s6, $0x1;
	s3 =	sadd.s32 s4, s19  }
0x9c: {  	s7 =	simm.s32 $0x0;
	s20 =	sshll.u32 s5, $0x1;
	s5 =	sadd.s32 s21, s3  }
0x9d: {  	[timem:s7], [sflag:s22] =	dma.local [hbm:s5], s20  }
0x9e: {  	_ =	swait.ge [sflag:s22], s20  }
0x9f: {  	s4 =	ssub.s32 $0x0, s20;
	[sflag:s22] =	ssyncset.done $0x0  }
0xa0: {  	[sflag:s22] =	ssyncadd.s32 s4;
	_ =	sdelay $0x1  }
0xa1: {  	s23 =	simm.s32 $0x1B8B  }
0xa2: {  	_ =	swait.ge [sflag:s23], $0x1  }
0xa3: {  	[sflag:s23] =	ssyncset.done $0x0  }
0xa4: {  	s25 =	simm.s32 $0x1B8E;
	s24 =	sld [smem:$0x3FFE];
	[sflag:s23] =	ssyncadd.s32 $0xFFFFFFFF  }
0xa5: {  	s26 =	simm.s32 $execute0_lowered;
	[smem:$0x3FD2] =	sst s25  }
0xa6: {  	s5 =	sshll.u32 s26, $0x1;
	_ =	strace $0x80000049;
	[dreg:$0x1] =	wrdreg $0xFFFFFFFF  }
0xa7: {  	s28 =	simm.s32 $_size_execute0_lowered;
	s3 =	sadd.s32 s3, s5;
	[dreg:$0x0] =	wrdreg $0x0  }
0xa8: {  	s5 =	sshll.u32 s28, $0x1;
	[dreg:$0x2] =	wrdreg s3  }
0xa9: {  	[dreg:$0x3] =	wrdreg s5  }
0xaa: {  	[dreg:$0x4] =	wrdreg $0xC0  }
0xab: {  	_ =	task [dreg:s7], $0x5FFFF  }
0xac: {  	[dreg:$0x1] =	wrdreg $0xFFFFFFFF  }
0xad: {  	[dreg:$0x0] =	wrdreg $0x60  }
0xae: {  	[dreg:$0x2] =	wrdreg s2  }
0xaf: {  	[dreg:$0x3] =	wrdreg s24  }
0xb0: {  	[dreg:$0x4] =	wrdreg $0xC0000  }
0xb1: {  	[dreg:$0x5] =	wrdreg $0x9  }
0xb2: {  	_ =	task.clear_ibuf [dreg:s7], $0x6FFFF;
	_ =	strace $0x90000049  }
0xb3: {  	s29 =	simm.s32 $0x9;
	_ =	strace $0x8000004B  }
0xb4: {  	_ =	swait.ge [sflag:s29], $0x1  }
0xb5: {  	[sflag:s29] =	ssyncadd.s32 $0xFFFFFFFF  }
0xb6: {  	_ =	strace $0x9000004B  }
0xb7: {  	_ =	sfence  }
0xb8: {  	s30 =	sld [smem:$0x0];
	_ =	sdelay $0x2  }
0xb9: {  	s31 =	sshll.u32 s1, $0xD;
	s1 =	sshrl.u32 s1, $0x2  }
0xba: {  	s3 =	sand.u32 $0x4000, s31;
	s1 =	sadd.s32 s1, s30  }
0xbb: {  	s0 =	sor.u32 s3, s0;
	s1 =	sshll.u32 s1, $0x11  }
0xbc: {  	s0 =	sor.u32 s1, s0  }
0xbd: {  	s0 =	sadd.s32 $0x8F2B, s0  }
0xbe: {  	[sflag:s0] =	ssyncadd.remote.s32 $0x1  }
0xbf: {  	_ =	sfence.sel $0xFFFF  }
0xc0: {  	[dreg:$0x0] =	wrdreg $0xFFFFFFFF;
	(pc) =	sbr.abs _section_cstart, $3  }
0xc1: {  	[dreg:$0x1] =	wrdreg $0xFFFFFFFF  }
0xc2: {  	_ =	task.clear_ibuf [dreg:s7], $0x2FFFF;
	_ =	strace $0x9FFFFFFF  }
0xc3: {  	(tm) =	ssettm $0x7FFFFFFF  }
tec
execute0_lowered:
.L_overlay_start_1:
0x0: {  	(tag) =	ssettag $0x1  }
0x1: {  	s2 =	rddreg [dreg:$0x0]  }
0x2: {  	s0 =	rddreg [dreg:$0x1]  }
0x3: {  	s3 =	rddreg [dreg:$0x2]  }
0x4: {  	s9 =	stileid.u32;
	s1 =	srdreg.scid  }
0x5: {  	s4 =	simm.s32 $0x0;
	s16 =	simm.s32 $0x2;
	s17 =	simm.s32 $0x2000  }
0x6: {  	s18 =	simm.s32 $0x40;
	s19 =	simm.s32 $0x4000;
	s20 =	simm.s32 $0x6000  }
0x7: {  	s21 =	simm.s32 $0x1;
	s22 =	simm.s32 $0x8000;
	s5 =	smul.u32 $0x13C00, s9  }
0x8: {  	s23 =	simm.s32 $0xA000;
	s28 =	simm.s32 $0x3B00;
	s24 =	smul.u32 $0x4F000, s9  }
0x9: {  	s29 =	simm.s32 $0x3B80;
	s1 =	sand.u32 $0x1, s1;
	s26 =	smul.u32 $0x3800, s9  }
0xa: {  	[smem:$0x7FF] =	sst s4;
	s30 =	sshll.u32 s9, $0x6;
	s9 =	smul.u32 $0x300, s9  }
0xb: {  	s11 =	sadd.s32 $0xC200, s0;
	s12 =	sadd.s32 $0x1200, s0;
	s6 =	smul.u32 $0x13C000, s1  }
0xc: {  	_ =	strace $0x8000004A;
	s8 =	ssub.s32 $0x2, s1;
	p0 =	seq.s32 s1, $0x1  }
0xd: {  	s7 =	sshrl.u32 s5, $0x3;
	s25 =	sshrl.u32 s8, $0x1;
	s31 =	sshrl.u32 s26, $0x3  }
0xe: {  	s26 =	simm.s32 $0x1BC0;
	s5 =	sadd.s32 s5, s6;
	s7 =	sadd.s32 s7, s0  }
0xf: {  	s6 =	sshrl.u32 s24, $0x2;
	s14 =	ssub.s32 s8, s25;
	s8 =	sadd.s32 s12, s9  }
0x10: {  	s10 =	sadd.s32 $0x3000, s31;
	s1 =	sadd.s32 $0x3380, s31;
	s24 =	simm.s32 $0x80  }
.Ltmp0:
0x11: {  	s25 =	simm.s32 $0x1B80;
	s5 =	sshrl.u32 s5, $0x3;
	(pc) =	sbr.rel .LBB2_1-.Ltmp0, $4  }
0x12: {  	s15 =	sadd.s32 s6, s3;
	s6 =	sor.u32 $0x1C02, s30;
	s14 =	smax.u32 s14, $0x1  }
0x13: {  	s0 =	sadd.s32 s5, s0;
	s5 =	sadd.s32 $0x16200, s7;
	s7 =	sadd.s32 s11, s9  }
0x14: {  	s9 =	sadd.s32 s11, s10;
	s10 =	sadd.s32 s12, s10;
	s11 =	sadd.s32 s11, s1  }
0x15: {  	s12 =	sadd.s32 s12, s1;
	s15 =	sshrl.u32 s15, $0x3;
	s13 =	sadd.s32 $0x3DA00, s0  }
.LBB2_10:
0x16: {  	_ =	swait.ge [sflag:s21], $0x2000  }
0x17: {  	[sflag:s21] =	ssyncset.done $0x0  }
0x18: {  	[sflag:s21] =	ssyncadd.s32 $0xFFFFE000  }
0x19: {  	_ =	swait.ge [sflag:s21], $0x2000  }
0x1a: {  	[sflag:s21] =	ssyncset.done $0x0  }
0x1b: {  	[sflag:s21] =	ssyncadd.s32 $0xFFFFE000  }
0x1c: {  	[tilespmem:s22], [sflag:$0x1] =	stream.indirect.gather [hbm4b:s2+s18], $0x80, s1, s18, $0xb8;
	[tilespmem:$0x1FC00] =	vst v63  }
0x1d: {  	_ = 	snop  }
0x1e: {  	[tilespmem:s23], [sflag:$0x1] =	stream.indirect.gather [hbm4b:s2+s18], $0x80, s0, s18, $0xb8;
	[tilespmem:$0x1FC00] =	vst v63  }
0x1f: {  	_ = 	snop  }
0x20: {  	[spmem:s3] =	stream.indirect.scatter.add.f32 [tilespmem:s19], [sflag:$0x2], $0x80, s31, s24, $0xb8;
	[tilespmem:$0x1FC00] =	vst v63  }
0x21: {  	_ =	swait.ge [sflag:s16], $0x4000  }
0x22: {  	[sflag:s16] =	ssyncset.done $0x0  }
0x23: {  	[sflag:s16] =	ssyncadd.s32 $0xFFFFC000  }
0x24: {  	_ =	swait.ge [sflag:s21], $0x2000  }
0x25: {  	[sflag:s21] =	ssyncset.done $0x0  }
0x26: {  	[sflag:s21] =	ssyncadd.s32 $0xFFFFE000  }
0x27: {  	_ =	swait.ge [sflag:s21], $0x2000  }
0x28: {  	[sflag:s21] =	ssyncset.done $0x0  }
0x29: {  	[sflag:s21] =	ssyncadd.s32 $0xFFFFE000  }
0x2a: {  	[spmem:s3] =	stream.indirect.scatter.add.f32 [tilespmem:s22], [sflag:$0x2], $0x80, s30, s24, $0xb8;
	[tilespmem:$0x1FC00] =	vst v63  }
0x2b: {  	_ =	swait.ge [sflag:s16], $0x4000  }
0x2c: {  	s4 =	sadd.s32 $0x1, s4;
	[sflag:s16] =	ssyncset.done $0x0  }
0x2d: {  	p1 =	sne.s32 s4, s14;
	[sflag:s16] =	ssyncadd.s32 $0xFFFFC000  }
.Ltmp1:
0x2e: {  	[bflag:$0x0] =	sbarrier.arrive $0xFFFF;
	(pc) =	sbr.rel @!p1 .LBB2_11-.Ltmp1, $4  }
0x2f: {  	[hbm:s13], [sflag:s6] =	dma.local [spmem:s15], $0x2780  }
0x30: {  	_ =	swait.ge [sflag:s16], $0x2780  }
0x31: {  	[sflag:s16] =	ssyncset.done $0x0  }
0x32: {  	[sflag:s16] =	ssyncadd.s32 $0xFFFFD880  }
.LBB2_1:
0x33: {  	[spmem:s15], [sflag:s6] =	dma.local [hbm:s5], $0x2780  }
.Ltmp2:
0x34: {  	_ =	swait.ge [sflag:s16], $0x2780;
	(pc) =	sbr.rel @!p0 .LBB2_2-.Ltmp2, $3  }
0x35: {  	[sflag:s16] =	ssyncset.done $0x0  }
0x36: {  	[sflag:s16] =	ssyncadd.s32 $0xFFFFD880  }
0x37: {  	[bflag:$0x0] =	sbarrier.arrive $0xFFFF;
	_ =	sdelay $0x1  }
0x38: {  	s0 =	simm.s32 $0x0  }
0x39: {  	[tilespmem:s0], [sflag:$0x2] =	stream.linear.gather [hbm4b:s9+s0], $0x1C00, $0x38;
	[tilespmem:$0x1FC00] =	vst v63  }
0x3a: {  	_ =	swait.ge [sflag:s16], $0x1C00  }
0x3b: {  	[sflag:s16] =	ssyncset.done $0x0  }
0x3c: {  	[sflag:s16] =	ssyncadd.s32 $0xFFFFE400  }
0x3d: {  	[tilespmem:s17], [sflag:$0x2] =	stream.linear.gather [hbm4b:s10+s0], $0x1C00, $0x38;
	[tilespmem:$0x1FC00] =	vst v63  }
0x3e: {  	_ =	swait.ge [sflag:s16], $0x1C00  }
0x3f: {  	[sflag:s16] =	ssyncset.done $0x0  }
0x40: {  	[sflag:s16] =	ssyncadd.s32 $0xFFFFE400  }
0x41: {  	[tilespmem:s19], [sflag:$0x1] =	stream.indirect.gather [hbm4b:s2+s18], $0x80, s0, s18, $0xb8;
	[tilespmem:$0x1FC00] =	vst v63  }
0x42: {  	_ = 	snop  }
0x43: {  	[tilespmem:s20], [sflag:$0x1] =	stream.indirect.gather [hbm4b:s2+s18], $0x80, s18, s18, $0xb8;
	[tilespmem:$0x1FC00] =	vst v63  }
0x44: {  	_ =	swait.ge [sflag:s21], $0x2000  }
0x45: {  	[sflag:s21] =	ssyncset.done $0x0  }
0x46: {  	[sflag:s21] =	ssyncadd.s32 $0xFFFFE000  }
0x47: {  	_ =	swait.ge [sflag:s21], $0x2000  }
0x48: {  	[sflag:s21] =	ssyncset.done $0x0  }
0x49: {  	s1 =	simm.s32 $0x80;
	[sflag:s21] =	ssyncadd.s32 $0xFFFFE000  }
0x4a: {  	[tilespmem:s22], [sflag:$0x1] =	stream.indirect.gather [hbm4b:s2+s18], $0x80, s1, s18, $0xb8;
	[tilespmem:$0x1FC00] =	vst v63  }
0x4b: {  	s31 =	simm.s32 $0xC0  }
0x4c: {  	[tilespmem:s23], [sflag:$0x1] =	stream.indirect.gather [hbm4b:s2+s18], $0x80, s31, s18, $0xb8;
	[tilespmem:$0x1FC00] =	vst v63  }
0x4d: {  	s1 =	simm.s32 $0x2000  }
0x4e: {  	[spmem:s3] =	stream.indirect.scatter.add.f32 [tilespmem:s19], [sflag:$0x2], $0x80, s1, s24, $0xb8;
	[tilespmem:$0x1FC00] =	vst v63  }
0x4f: {  	_ =	swait.ge [sflag:s16], $0x4000  }
0x50: {  	[sflag:s16] =	ssyncset.done $0x0  }
0x51: {  	[sflag:s16] =	ssyncadd.s32 $0xFFFFC000  }
0x52: {  	_ =	swait.ge [sflag:s21], $0x2000  }
0x53: {  	[sflag:s21] =	ssyncset.done $0x0  }
0x54: {  	[sflag:s21] =	ssyncadd.s32 $0xFFFFE000  }
0x55: {  	_ =	swait.ge [sflag:s21], $0x2000  }
0x56: {  	[sflag:s21] =	ssyncset.done $0x0  }
0x57: {  	s31 =	simm.s32 $0x100;
	[sflag:s21] =	ssyncadd.s32 $0xFFFFE000  }
0x58: {  	[tilespmem:s19], [sflag:$0x1] =	stream.indirect.gather [hbm4b:s2+s18], $0x80, s31, s18, $0xb8;
	[tilespmem:$0x1FC00] =	vst v63  }
0x59: {  	s1 =	simm.s32 $0x140  }
0x5a: {  	[tilespmem:s20], [sflag:$0x1] =	stream.indirect.gather [hbm4b:s2+s18], $0x80, s1, s18, $0xb8;
	[tilespmem:$0x1FC00] =	vst v63  }
0x5b: {  	s31 =	simm.s32 $0x2080  }
0x5c: {  	[spmem:s3] =	stream.indirect.scatter.add.f32 [tilespmem:s22], [sflag:$0x2], $0x80, s31, s24, $0xb8;
	[tilespmem:$0x1FC00] =	vst v63  }
0x5d: {  	_ =	swait.ge [sflag:s16], $0x4000  }
0x5e: {  	s30 =	simm.s32 $0x400;
	[sflag:s16] =	ssyncset.done $0x0  }
.LBB2_6:
0x5f: {  	p1 =	sne.s32 s30, $0x6800  }
0x60: {  	[sflag:s16] =	ssyncadd.s32 $0xFFFFC000;
	s0 =	smov.u32 s30;
	s30 =	sadd.s32 $0x400, s30  }
0x61: {  	_ = 	snop  }
0x62: {  	_ =	swait.ge [sflag:s21], $0x2000  }
0x63: {  	[sflag:s21] =	ssyncset.done $0x0  }
0x64: {  	[sflag:s21] =	ssyncadd.s32 $0xFFFFE000  }
0x65: {  	_ =	swait.ge [sflag:s21], $0x2000  }
0x66: {  	s0 =	sshra.s32 s0, $0x2;
	[sflag:s21] =	ssyncset.done $0x0  }
0x67: {  	s1 =	sadd.s32 $0x80, s0;
	[sflag:s21] =	ssyncadd.s32 $0xFFFFE000  }
0x68: {  	[tilespmem:s22], [sflag:$0x1] =	stream.indirect.gather [hbm4b:s2+s18], $0x80, s1, s18, $0xb8;
	[tilespmem:$0x1FC00] =	vst v63  }
0x69: {  	s1 =	sadd.s32 $0xC0, s0  }
0x6a: {  	[tilespmem:s23], [sflag:$0x1] =	stream.indirect.gather [hbm4b:s2+s18], $0x80, s1, s18, $0xb8;
	[tilespmem:$0x1FC00] =	vst v63  }
0x6b: {  	s1 =	sadd.s32 $0x2000, s0  }
0x6c: {  	[spmem:s3] =	stream.indirect.scatter.add.f32 [tilespmem:s19], [sflag:$0x2], $0x80, s1, s24, $0xb8;
	[tilespmem:$0x1FC00] =	vst v63  }
0x6d: {  	_ =	swait.ge [sflag:s16], $0x4000  }
0x6e: {  	[sflag:s16] =	ssyncset.done $0x0  }
0x6f: {  	[sflag:s16] =	ssyncadd.s32 $0xFFFFC000  }
0x70: {  	_ =	swait.ge [sflag:s21], $0x2000  }
0x71: {  	[sflag:s21] =	ssyncset.done $0x0  }
0x72: {  	[sflag:s21] =	ssyncadd.s32 $0xFFFFE000  }
0x73: {  	_ =	swait.ge [sflag:s21], $0x2000  }
0x74: {  	[sflag:s21] =	ssyncset.done $0x0  }
0x75: {  	s1 =	sadd.s32 $0x100, s0;
	[sflag:s21] =	ssyncadd.s32 $0xFFFFE000  }
0x76: {  	[tilespmem:s19], [sflag:$0x1] =	stream.indirect.gather [hbm4b:s2+s18], $0x80, s1, s18, $0xb8;
	[tilespmem:$0x1FC00] =	vst v63  }
0x77: {  	s1 =	sadd.s32 $0x140, s0  }
0x78: {  	[tilespmem:s20], [sflag:$0x1] =	stream.indirect.gather [hbm4b:s2+s18], $0x80, s1, s18, $0xb8;
	[tilespmem:$0x1FC00] =	vst v63  }
.Ltmp3:
0x79: {  	_ = 	snop;
	(pc) =	sbr.rel @p1 .LBB2_6-.Ltmp3, $4  }
0x7a: {  	s0 =	sadd.s32 $0x2080, s0  }
0x7b: {  	[spmem:s3] =	stream.indirect.scatter.add.f32 [tilespmem:s22], [sflag:$0x2], $0x80, s0, s24, $0xb8;
	[tilespmem:$0x1FC00] =	vst v63  }
0x7c: {  	_ =	swait.ge [sflag:s16], $0x4000  }
0x7d: {  	[sflag:s16] =	ssyncset.done $0x0  }
0x7e: {  	[sflag:s16] =	ssyncadd.s32 $0xFFFFC000  }
0x7f: {  	_ =	swait.ge [sflag:s21], $0x2000  }
0x80: {  	[sflag:s21] =	ssyncset.done $0x0  }
0x81: {  	[sflag:s21] =	ssyncadd.s32 $0xFFFFE000  }
0x82: {  	_ =	swait.ge [sflag:s21], $0x2000  }
0x83: {  	[sflag:s21] =	ssyncset.done $0x0  }
0x84: {  	[sflag:s21] =	ssyncadd.s32 $0xFFFFE000  }
0x85: {  	[tilespmem:s22], [sflag:$0x1] =	stream.indirect.gather [hbm4b:s2+s18], $0x80, s25, s18, $0xb8;
	[tilespmem:$0x1FC00] =	vst v63  }
0x86: {  	_ = 	snop  }
0x87: {  	[tilespmem:s23], [sflag:$0x1] =	stream.indirect.gather [hbm4b:s2+s18], $0x80, s26, s18, $0xb8;
	[tilespmem:$0x1FC00] =	vst v63  }
0x88: {  	_ = 	snop  }
0x89: {  	[spmem:s3] =	stream.indirect.scatter.add.f32 [tilespmem:s19], [sflag:$0x2], $0x80, s28, s24, $0xb8;
	[tilespmem:$0x1FC00] =	vst v63  }
0x8a: {  	_ =	swait.ge [sflag:s16], $0x4000  }
0x8b: {  	[sflag:s16] =	ssyncset.done $0x0  }
0x8c: {  	[sflag:s16] =	ssyncadd.s32 $0xFFFFC000  }
0x8d: {  	_ =	swait.ge [sflag:s21], $0x2000  }
0x8e: {  	[sflag:s21] =	ssyncset.done $0x0  }
0x8f: {  	[sflag:s21] =	ssyncadd.s32 $0xFFFFE000  }
0x90: {  	_ =	swait.ge [sflag:s21], $0x2000  }
0x91: {  	[sflag:s21] =	ssyncset.done $0x0  }
0x92: {  	[sflag:s21] =	ssyncadd.s32 $0xFFFFE000  }
0x93: {  	[spmem:s3] =	stream.indirect.scatter.add.f32 [tilespmem:s22], [sflag:$0x2], $0x80, s29, s24, $0xb8;
	[tilespmem:$0x1FC00] =	vst v63  }
0x94: {  	_ =	swait.ge [sflag:s16], $0x4000  }
0x95: {  	[sflag:s16] =	ssyncset.done $0x0  }
0x96: {  	s30 =	simm.s32 $0x0;
	[sflag:s16] =	ssyncadd.s32 $0xFFFFC000  }
0x97: {  	[tilespmem:s30], [sflag:$0x2] =	stream.linear.gather [hbm4b:s11+s30], $0x1C00, $0x38;
	[tilespmem:$0x1FC00] =	vst v63  }
0x98: {  	_ =	swait.ge [sflag:s16], $0x1C00  }
0x99: {  	[sflag:s16] =	ssyncset.done $0x0  }
0x9a: {  	[sflag:s16] =	ssyncadd.s32 $0xFFFFE400  }
0x9b: {  	[tilespmem:s17], [sflag:$0x2] =	stream.linear.gather [hbm4b:s12+s30], $0x1C00, $0x38;
	[tilespmem:$0x1FC00] =	vst v63  }
0x9c: {  	_ =	swait.ge [sflag:s16], $0x1C00  }
0x9d: {  	[sflag:s16] =	ssyncset.done $0x0  }
0x9e: {  	[sflag:s16] =	ssyncadd.s32 $0xFFFFE400  }
0x9f: {  	[tilespmem:s19], [sflag:$0x1] =	stream.indirect.gather [hbm4b:s2+s18], $0x80, s30, s18, $0xb8;
	[tilespmem:$0x1FC00] =	vst v63  }
0xa0: {  	_ = 	snop  }
0xa1: {  	[tilespmem:s20], [sflag:$0x1] =	stream.indirect.gather [hbm4b:s2+s18], $0x80, s18, s18, $0xb8;
	[tilespmem:$0x1FC00] =	vst v63  }
.LBB2_8:
0xa2: {  	_ =	swait.ge [sflag:s21], $0x2000  }
0xa3: {  	[sflag:s21] =	ssyncset.done $0x0  }
0xa4: {  	[sflag:s21] =	ssyncadd.s32 $0xFFFFE000  }
0xa5: {  	_ =	swait.ge [sflag:s21], $0x2000  }
0xa6: {  	s0 =	sshra.s32 s30, $0x2;
	[sflag:s21] =	ssyncset.done $0x0  }
0xa7: {  	s1 =	sadd.s32 $0x80, s0;
	[sflag:s21] =	ssyncadd.s32 $0xFFFFE000  }
0xa8: {  	[tilespmem:s22], [sflag:$0x1] =	stream.indirect.gather [hbm4b:s2+s18], $0x80, s1, s18, $0xb8;
	[tilespmem:$0x1FC00] =	vst v63  }
0xa9: {  	s31 =	sadd.s32 $0xC0, s0  }
0xaa: {  	[tilespmem:s23], [sflag:$0x1] =	stream.indirect.gather [hbm4b:s2+s18], $0x80, s31, s18, $0xb8;
	[tilespmem:$0x1FC00] =	vst v63  }
0xab: {  	s31 =	sadd.s32 $0x2000, s0  }
0xac: {  	[spmem:s3] =	stream.indirect.scatter.add.f32 [tilespmem:s19], [sflag:$0x2], $0x80, s31, s24, $0xb8;
	[tilespmem:$0x1FC00] =	vst v63  }
0xad: {  	_ =	swait.ge [sflag:s16], $0x4000  }
0xae: {  	[sflag:s16] =	ssyncset.done $0x0  }
0xaf: {  	[sflag:s16] =	ssyncadd.s32 $0xFFFFC000  }
0xb0: {  	_ =	swait.ge [sflag:s21], $0x2000  }
0xb1: {  	[sflag:s21] =	ssyncset.done $0x0  }
0xb2: {  	[sflag:s21] =	ssyncadd.s32 $0xFFFFE000  }
0xb3: {  	_ =	swait.ge [sflag:s21], $0x2000  }
0xb4: {  	[sflag:s21] =	ssyncset.done $0x0  }
0xb5: {  	s31 =	sadd.s32 $0x100, s0;
	[sflag:s21] =	ssyncadd.s32 $0xFFFFE000  }
0xb6: {  	[tilespmem:s19], [sflag:$0x1] =	stream.indirect.gather [hbm4b:s2+s18], $0x80, s31, s18, $0xb8;
	[tilespmem:$0x1FC00] =	vst v63  }
0xb7: {  	p1 =	sne.s32 s30, $0x6800;
	s31 =	sadd.s32 $0x140, s0  }
0xb8: {  	[tilespmem:s20], [sflag:$0x1] =	stream.indirect.gather [hbm4b:s2+s18], $0x80, s31, s18, $0xb8;
	[tilespmem:$0x1FC00] =	vst v63  }
.Ltmp4:
0xb9: {  	s0 =	sadd.s32 $0x2080, s0;
	(pc) =	sbr.rel @p1 .LBB2_8-.Ltmp4, $4  }
0xba: {  	[spmem:s3] =	stream.indirect.scatter.add.f32 [tilespmem:s22], [sflag:$0x2], $0x80, s0, s24, $0xb8;
	[tilespmem:$0x1FC00] =	vst v63  }
0xbb: {  	_ =	swait.ge [sflag:s16], $0x4000  }
0xbc: {  	[sflag:s16] =	ssyncset.done $0x0  }
0xbd: {  	s30 =	sadd.s32 $0x400, s30;
	[sflag:s16] =	ssyncadd.s32 $0xFFFFC000  }
.Ltmp5:
0xbe: {  	(pc) =	sbr.rel .LBB2_10-.Ltmp5, $3  }
0xbf: {  	_ =	sdelay $0x1  }
0xc0: {  	s30 =	simm.s32 $0x3B80  }
0xc1: {  	s31 =	simm.s32 $0x3B00;
	s0 =	simm.s32 $0x1BC0;
	s1 =	simm.s32 $0x1B80  }
.LBB2_2:
0xc2: {  	s30 =	simm.s32 $0x0  }
0xc3: {  	[tilespmem:s30], [sflag:$0x2] =	stream.linear.gather [hbm4b:s7+s30], $0x1800, $0x38;
	[tilespmem:$0x1FC00] =	vst v63  }
0xc4: {  	_ =	swait.ge [sflag:s16], $0x1800  }
0xc5: {  	[sflag:s16] =	ssyncset.done $0x0  }
0xc6: {  	[sflag:s16] =	ssyncadd.s32 $0xFFFFE800  }
0xc7: {  	[tilespmem:s17], [sflag:$0x2] =	stream.linear.gather [hbm4b:s8+s30], $0x1800, $0x38;
	[tilespmem:$0x1FC00] =	vst v63  }
0xc8: {  	_ =	swait.ge [sflag:s16], $0x1800  }
0xc9: {  	[sflag:s16] =	ssyncset.done $0x0  }
0xca: {  	[sflag:s16] =	ssyncadd.s32 $0xFFFFE800  }
0xcb: {  	[tilespmem:s19], [sflag:$0x1] =	stream.indirect.gather [hbm4b:s2+s18], $0x80, s30, s18, $0xb8;
	[tilespmem:$0x1FC00] =	vst v63  }
0xcc: {  	_ = 	snop  }
0xcd: {  	[tilespmem:s20], [sflag:$0x1] =	stream.indirect.gather [hbm4b:s2+s18], $0x80, s18, s18, $0xb8;
	[tilespmem:$0x1FC00] =	vst v63  }
.LBB2_3:
0xce: {  	_ =	swait.ge [sflag:s21], $0x2000  }
0xcf: {  	[sflag:s21] =	ssyncset.done $0x0  }
0xd0: {  	[sflag:s21] =	ssyncadd.s32 $0xFFFFE000  }
0xd1: {  	_ =	swait.ge [sflag:s21], $0x2000  }
0xd2: {  	s0 =	sshra.s32 s30, $0x2;
	[sflag:s21] =	ssyncset.done $0x0  }
0xd3: {  	s1 =	sadd.s32 $0x80, s0;
	[sflag:s21] =	ssyncadd.s32 $0xFFFFE000  }
0xd4: {  	[tilespmem:s22], [sflag:$0x1] =	stream.indirect.gather [hbm4b:s2+s18], $0x80, s1, s18, $0xb8;
	[tilespmem:$0x1FC00] =	vst v63  }
0xd5: {  	s31 =	sadd.s32 $0xC0, s0  }
0xd6: {  	[tilespmem:s23], [sflag:$0x1] =	stream.indirect.gather [hbm4b:s2+s18], $0x80, s31, s18, $0xb8;
	[tilespmem:$0x1FC00] =	vst v63  }
0xd7: {  	s31 =	sadd.s32 $0x2000, s0  }
0xd8: {  	[spmem:s3] =	stream.indirect.scatter.add.f32 [tilespmem:s19], [sflag:$0x2], $0x80, s31, s24, $0xb8;
	[tilespmem:$0x1FC00] =	vst v63  }
0xd9: {  	_ =	swait.ge [sflag:s16], $0x4000  }
0xda: {  	[sflag:s16] =	ssyncset.done $0x0  }
0xdb: {  	[sflag:s16] =	ssyncadd.s32 $0xFFFFC000  }
0xdc: {  	_ =	swait.ge [sflag:s21], $0x2000  }
0xdd: {  	[sflag:s21] =	ssyncset.done $0x0  }
0xde: {  	[sflag:s21] =	ssyncadd.s32 $0xFFFFE000  }
0xdf: {  	_ =	swait.ge [sflag:s21], $0x2000  }
0xe0: {  	[sflag:s21] =	ssyncset.done $0x0  }
0xe1: {  	s31 =	sadd.s32 $0x100, s0;
	[sflag:s21] =	ssyncadd.s32 $0xFFFFE000  }
0xe2: {  	[tilespmem:s19], [sflag:$0x1] =	stream.indirect.gather [hbm4b:s2+s18], $0x80, s31, s18, $0xb8;
	[tilespmem:$0x1FC00] =	vst v63  }
0xe3: {  	p1 =	seq.s32 s30, $0x5800;
	s31 =	sadd.s32 $0x140, s0  }
0xe4: {  	[tilespmem:s20], [sflag:$0x1] =	stream.indirect.gather [hbm4b:s2+s18], $0x80, s31, s18, $0xb8;
	[tilespmem:$0x1FC00] =	vst v63  }
.Ltmp6:
0xe5: {  	s0 =	sadd.s32 $0x2080, s0;
	(pc) =	sbr.rel @!p1 .LBB2_3-.Ltmp6, $4  }
0xe6: {  	[spmem:s3] =	stream.indirect.scatter.add.f32 [tilespmem:s22], [sflag:$0x2], $0x80, s0, s24, $0xb8;
	[tilespmem:$0x1FC00] =	vst v63  }
0xe7: {  	_ =	swait.ge [sflag:s16], $0x4000  }
0xe8: {  	[sflag:s16] =	ssyncset.done $0x0  }
0xe9: {  	s30 =	sadd.s32 $0x400, s30;
	[sflag:s16] =	ssyncadd.s32 $0xFFFFC000  }
.Ltmp7:
0xea: {  	(pc) =	sbr.rel .LBB2_10-.Ltmp7, $3  }
0xeb: {  	_ =	sdelay $0x1  }
0xec: {  	s30 =	simm.s32 $0x3780  }
0xed: {  	s31 =	simm.s32 $0x3700;
	s0 =	simm.s32 $0x17C0;
	s1 =	simm.s32 $0x1780  }
.LBB2_11:
0xee: {  	_ =	sfence.sel $0x180000  }
0xef: {  	[bflag:$0x0] =	sbarrier.arrive $0xFFFF  }
0xf0: {  	_ =	strace $0x9000004A  }
0xf1: {  	s0 =	stileid.u32;
	[bflag:$0x2] =	sbarrier.arrive $0xFFFF  }
0xf2: {  	p0 =	sne.s32 s0, $0x0;
	s0 =	rddreg [dreg:$0x3]  }
0xf3: {  	s0 =	sadd.s32 @!p0 $0x100000, s0  }
0xf4: {  	[sflag:s0] =	ssyncadd.tile.s32 @!p0 $0x1;
	_ =	shalt  }
.Lfunc_end2:
_tile_overlayer_lowered:
.L_overlay_start_2:
0xf5: {  	(tag) =	ssettag $0x2  }
0xf6: {  	s0 =	rddreg [dreg:$0x0];
	s2 =	stileid.u32  }
0xf7: {  	s1 =	rddreg [dreg:$0x1];
	p0 =	sne.s32 s2, $0x0  }
0xf8: {  	s3 =	rddreg [dreg:$0x2];
	[bflag:$0x3] =	sbarrier.arrive $0xFFFF;
	s2 =	simm.s32 @!p0 $0x1C02  }
0xf9: {  	[timem:s3], [sflag:s2] =	dma.local @!p0 [hbm:s0], s1  }
0xfa: {  	s0 =	simm.s32 @!p0 $0x2  }
0xfb: {  	_ =	swait.ge @!p0 [sflag:s0], s1  }
0xfc: {  	s1 =	ssub.s32 @!p0 $0x0, s1;
	[sflag:s0] =	ssyncset.done @!p0 $0x0  }
0xfd: {  	[sflag:s0] =	ssyncadd.s32 @!p0 s1  }
0xfe: {  	[bflag:$0x3] =	sbarrier.arrive $0xFFFF  }
0xff: {  	_ =	shalt  }

// kernel: kernel.7.cloned.1.call-start
scs
__scs_entry_jumppad:
0x0: {  	(pc) =	sbr.rel $0x88, $3  }
0x1: {  	(tag) =	ssettag $0x0;
	lr =	simm.s32 $0x1  }
0x2: {  	[smem:$0x3F9D] =	sst lr;
	_ =	strace $0xD0000000  }
0x3: {  	_ = 	snop  }
0x4: {  	_ = 	snop  }
0x5: {  	_ = 	snop  }
0x6: {  	_ = 	snop  }
0x7: {  	_ = 	snop  }
__scs_overlays_trampoline_lowered:
0x8: {  	[smem:$0x3FAC] =	sst s0  }
0x9: {  	[smem:$0x3FAD] =	sst s1  }
0xa: {  	[smem:$0x3FAE] =	sst s2  }
0xb: {  	[smem:$0x3FAF] =	sst s3  }
0xc: {  	[smem:$0x3FB0] =	sst s4  }
0xd: {  	[smem:$0x3FB1] =	sst s5  }
0xe: {  	[smem:$0x3FB2] =	sst s6  }
0xf: {  	[smem:$0x3FB3] =	sst s7  }
0x10: {  	[smem:$0x3FB4] =	sst s8  }
0x11: {  	[smem:$0x3FB5] =	sst s9;
	s0 =	simm.s32 @!p0 $0x0  }
0x12: {  	s1 =	sld [smem:$0x3F9B];
	s0 =	simm.s32 @p0 $0x1  }
0x13: {  	[smem:$0x3FB6] =	sst s0;
	s0 =	simm.s32 @!p1 $0x0  }
0x14: {  	s2 =	sld [smem:$0x3F9A];
	s0 =	simm.s32 @p1 $0x1  }
0x15: {  	[smem:$0x3FB7] =	sst s0;
	s0 =	simm.s32 @!p2 $0x0  }
0x16: {  	s3 =	sld [smem:$0x3FDB];
	s0 =	simm.s32 @p2 $0x1  }
0x17: {  	s4 =	simm.s32 $0x1BF5;
	[smem:$0x3FB9] =	sst s0  }
0x18: {  	s0 =	sld [smem:$0x3F9C];
	_ =	swait.ge [sflag:s4], $0x0  }
0x19: {  	s7 =	sld [smem:$0x3F9D]  }
0x1a: {  	s8 =	sadd.s32 $0xFFFFE003, lr  }
0x1b: {  	s9 =	sadd.s32 $0xFFFFFEF7, lr;
	s5 =	simm.s32 $0xFFFFFFFF;
	p2 =	slt.u32 s8, $0xFFFFF086  }
0x1c: {  	p1 =	slt.u32 s9, $0xF7A;
	s5 =	simm.s32 @!p2 $0x0  }
0x1d: {  	s5 =	simm.s32 @p1 $0x1;
	p0 =	seq.s32 s7, s2  }
0x1e: {  	s7 =	smul.u32 @!p0 $0xF7A, s2;
	p2 =	seq.s32 @!p0 s5, $0x0  }
0x1f: {  	s9 =	smul.u32 $0xF7A, s1;
	s8 =	simm.s32 @!p0 $0x1BF5;
	p2 =	por !p2, p0  }
0x20: {  	[sflag:s8] =	ssyncset.s32 @!p0 $0xFFFFF086;
	s6 =	sadd.s32 @!p0 s3, s7;
	s7 =	simm.s32 @!p0 $0x108  }
0x21: {  	s3 =	sadd.s32 s3, s9;
	s6 =	sadd.s32 @!p0 $0x88, s6;
	s7 =	simm.s32 @p2 $0x1082  }
0x22: {  	[simem:s7], [sflag:s8] =	dma.local @!p0 [hbm:s6], $0xF7A  }
0x23: {  	s9 =	sor.u32 $0xD0000000, s2;
	s6 =	simm.s32 $0x108;
	_ =	swait.ge @!p0 [sflag:s8], $0x0  }
0x24: {  	s3 =	sadd.s32 $0x88, s3;
	s6 =	simm.s32 @!p1 $0x1082;
	[sflag:s4] =	ssyncset.s32 $0xFFFFF086  }
0x25: {  	[simem:s6], [sflag:s4] =	dma.local [hbm:s3], $0xF7A  }
0x26: {  	[smem:$0x3F9D] =	sst s1;
	(tag) =	ssettag s2;
	_ =	strace s9  }
0x27: {  	s1 =	sld [smem:$0x3FAD]  }
0x28: {  	s2 =	sld [smem:$0x3FAE]  }
0x29: {  	s4 =	sld [smem:$0x3FB0]  }
0x2a: {  	p0 =	seq.s32 s5, $0x0;
	s5 =	sld [smem:$0x3FB1]  }
0x2b: {  	s6 =	sld [smem:$0x3FB2]  }
0x2c: {  	s7 =	sld [smem:$0x3FB3]  }
0x2d: {  	s3 =	simm.s32 $0x108;
	s8 =	sld [smem:$0x3FB4]  }
0x2e: {  	s3 =	simm.s32 @!p0 $0x1082;
	s9 =	sld [smem:$0x3FB5]  }
0x2f: {  	lr =	sadd.s32 s0, s3;
	s0 =	sld [smem:$0x3FAC]  }
0x30: {  	s3 =	sld [smem:$0x3FAF]  }
0x31: {  	[smem:$0x3FB8] =	sst s10  }
0x32: {  	s10 =	sld [smem:$0x3FB6];
	_ =	sdelay $0x3  }
0x33: {  	p0 =	seq.s32 s10, $0x1;
	s10 =	sld [smem:$0x3FB8];
	_ =	sdelay $0x3  }
0x34: {  	[smem:$0x3FB8] =	sst s10  }
0x35: {  	s10 =	sld [smem:$0x3FB7];
	_ =	sdelay $0x3  }
0x36: {  	p1 =	seq.s32 s10, $0x1;
	s10 =	sld [smem:$0x3FB8];
	_ =	sdelay $0x3  }
0x37: {  	[smem:$0x3FB8] =	sst s10  }
0x38: {  	s10 =	sld [smem:$0x3FB9]  }
0x39: {  	_ = 	snop;
	(pc) =	sbr.ind lr, $3  }
0x3a: {  	_ = 	snop  }
0x3b: {  	_ = 	snop  }
0x3c: {  	p2 =	seq.s32 s10, $0x1;
	s10 =	sld [smem:$0x3FB8]  }
0x3d: {  	_ =	shalt  }
0x3e: {  	_ =	shalt  }
0x3f: {  	_ =	shalt  }
0x40: {  	_ =	shalt  }
0x41: {  	_ =	shalt  }
0x42: {  	_ =	shalt  }
0x43: {  	_ =	shalt  }
0x44: {  	_ =	shalt  }
0x45: {  	_ =	shalt  }
0x46: {  	_ =	shalt  }
0x47: {  	_ =	shalt  }
0x48: {  	_ =	shalt  }
0x49: {  	_ =	shalt  }
0x4a: {  	_ =	shalt  }
0x4b: {  	_ =	shalt  }
0x4c: {  	_ =	shalt  }
0x4d: {  	_ =	shalt  }
0x4e: {  	_ =	shalt  }
0x4f: {  	_ =	shalt  }
0x50: {  	_ =	shalt  }
0x51: {  	_ =	shalt  }
0x52: {  	_ =	shalt  }
0x53: {  	_ =	shalt  }
0x54: {  	_ =	shalt  }
0x55: {  	_ =	shalt  }
0x56: {  	_ =	shalt  }
0x57: {  	_ =	shalt  }
0x58: {  	_ =	shalt  }
0x59: {  	_ =	shalt  }
0x5a: {  	_ =	shalt  }
0x5b: {  	_ =	shalt  }
0x5c: {  	_ =	shalt  }
0x5d: {  	_ =	shalt  }
0x5e: {  	_ =	shalt  }
0x5f: {  	_ =	shalt  }
0x60: {  	_ =	shalt  }
0x61: {  	_ =	shalt  }
0x62: {  	_ =	shalt  }
0x63: {  	_ =	shalt  }
0x64: {  	_ =	shalt  }
0x65: {  	_ =	shalt  }
0x66: {  	_ =	shalt  }
0x67: {  	_ =	shalt  }
0x68: {  	_ =	shalt  }
0x69: {  	_ =	shalt  }
0x6a: {  	_ =	shalt  }
0x6b: {  	_ =	shalt  }
0x6c: {  	_ =	shalt  }
0x6d: {  	_ =	shalt  }
0x6e: {  	_ =	shalt  }
0x6f: {  	_ =	shalt  }
0x70: {  	_ =	shalt  }
0x71: {  	_ =	shalt  }
0x72: {  	_ =	shalt  }
0x73: {  	_ =	shalt  }
0x74: {  	_ =	shalt  }
0x75: {  	_ =	shalt  }
0x76: {  	_ =	shalt  }
0x77: {  	_ =	shalt  }
0x78: {  	_ =	shalt  }
0x79: {  	_ =	shalt  }
0x7a: {  	_ =	shalt  }
0x7b: {  	_ =	shalt  }
0x7c: {  	_ =	shalt  }
0x7d: {  	_ =	shalt  }
0x7e: {  	_ =	shalt  }
0x7f: {  	_ =	shalt  }
0x80: {  	_ =	shalt  }
0x81: {  	_ =	shalt  }
0x82: {  	_ =	shalt  }
0x83: {  	_ =	shalt  }
0x84: {  	_ =	shalt  }
0x85: {  	_ =	shalt  }
0x86: {  	_ =	shalt  }
0x87: {  	_ =	shalt  }
.Lfunc_end0:
.L_simem_size_0:
called_computation_lowered:
.L_overlay_start_0:
0x88: {  	s2 =	sld [smem:$0x3FD9]  }
0x89: {  	s3 =	sld [smem:$0x3FFE];
	_ =	sdelay $0x1  }
0x8a: {  	s1 =	srdreg.scid  }
0x8b: {  	s0 =	sand.u32 $0x1, s1  }
0x8c: {  	s17 =	sshll.u32 s0, $0xA;
	s2 =	sadd.s32 s3, s2  }
0x8d: {  	s2 =	sadd.s32 s2, s17  }
0x8e: {  	[smem:$0x3FC4] =	sst s2  }
0x8f: {  	_ = 	snop  }
0x90: {  	s2 =	sld [smem:$0x3FD0];
	(tm) =	ssettm $0x1  }
0x91: {  	s18 =	sld [smem:$0x3FFB];
	_ =	sdelay $0x3  }
0x92: {  	_ =	strace s18  }
0x93: {  	s3 =	sld [smem:$0x3FFC];
	_ =	sdelay $0x3  }
0x94: {  	_ =	strace s3  }
0x95: {  	s3 =	sld [smem:$0x3FFD];
	_ =	sdelay $0x3  }
0x96: {  	_ =	strace s3  }
0x97: {  	_ =	strace $0x8FFFFFFF  }
0x98: {  	s19 =	sld [smem:$0x3FDB];
	_ =	sdelay $0x1  }
0x99: {  	s4 =	simm.s32 $_scs_section_size  }
0x9a: {  	s5 =	simm.s32 $_size__tile_overlayer_lowered;
	s6 =	simm.s32 $_tile_overlayer_lowered  }
0x9b: {  	s22 =	simm.s32 $0x1BFF;
	s21 =	sshll.u32 s6, $0x1;
	s3 =	sadd.s32 s4, s19  }
0x9c: {  	s7 =	simm.s32 $0x0;
	s20 =	sshll.u32 s5, $0x1;
	s5 =	sadd.s32 s21, s3  }
0x9d: {  	[timem:s7], [sflag:s22] =	dma.local [hbm:s5], s20  }
0x9e: {  	_ =	swait.ge [sflag:s22], s20  }
0x9f: {  	s4 =	ssub.s32 $0x0, s20;
	[sflag:s22] =	ssyncset.done $0x0  }
0xa0: {  	[sflag:s22] =	ssyncadd.s32 s4;
	_ =	sdelay $0x1  }
0xa1: {  	s23 =	simm.s32 $0x1B8B  }
0xa2: {  	_ =	swait.ge [sflag:s23], $0x1  }
0xa3: {  	[sflag:s23] =	ssyncset.done $0x0  }
0xa4: {  	s25 =	simm.s32 $0x1B8E;
	s24 =	sld [smem:$0x3FFE];
	[sflag:s23] =	ssyncadd.s32 $0xFFFFFFFF  }
0xa5: {  	s26 =	simm.s32 $execute0_lowered;
	[smem:$0x3FD2] =	sst s25  }
0xa6: {  	s5 =	sshll.u32 s26, $0x1;
	_ =	strace $0x80000046;
	[dreg:$0x1] =	wrdreg $0xFFFFFFFF  }
0xa7: {  	s28 =	simm.s32 $_size_execute0_lowered;
	s3 =	sadd.s32 s3, s5;
	[dreg:$0x0] =	wrdreg $0x0  }
0xa8: {  	s5 =	sshll.u32 s28, $0x1;
	[dreg:$0x2] =	wrdreg s3  }
0xa9: {  	[dreg:$0x3] =	wrdreg s5  }
0xaa: {  	[dreg:$0x4] =	wrdreg $0xC0  }
0xab: {  	_ =	task [dreg:s7], $0x5FFFF  }
0xac: {  	[dreg:$0x1] =	wrdreg $0xFFFFFFFF  }
0xad: {  	[dreg:$0x0] =	wrdreg $0x60  }
0xae: {  	[dreg:$0x2] =	wrdreg s2  }
0xaf: {  	[dreg:$0x3] =	wrdreg s24  }
0xb0: {  	[dreg:$0x4] =	wrdreg $0x28800  }
0xb1: {  	[dreg:$0x5] =	wrdreg $0x9  }
0xb2: {  	_ =	task.clear_ibuf [dreg:s7], $0x6FFFF;
	_ =	strace $0x90000046  }
0xb3: {  	s29 =	simm.s32 $0x9;
	_ =	strace $0x80000048  }
0xb4: {  	_ =	swait.ge [sflag:s29], $0x1  }
0xb5: {  	[sflag:s29] =	ssyncadd.s32 $0xFFFFFFFF  }
0xb6: {  	_ =	strace $0x90000048  }
0xb7: {  	_ =	sfence  }
0xb8: {  	s30 =	sld [smem:$0x0];
	_ =	sdelay $0x2  }
0xb9: {  	s31 =	sshll.u32 s1, $0xD;
	s1 =	sshrl.u32 s1, $0x2  }
0xba: {  	s3 =	sand.u32 $0x4000, s31;
	s1 =	sadd.s32 s1, s30  }
0xbb: {  	s0 =	sor.u32 s3, s0;
	s1 =	sshll.u32 s1, $0x11  }
0xbc: {  	s0 =	sor.u32 s1, s0  }
0xbd: {  	s0 =	sadd.s32 $0x8F2B, s0  }
0xbe: {  	[sflag:s0] =	ssyncadd.remote.s32 $0x1  }
0xbf: {  	_ =	sfence.sel $0xFFFF  }
0xc0: {  	[dreg:$0x0] =	wrdreg $0xFFFFFFFF;
	(pc) =	sbr.abs _section_cstart, $3  }
0xc1: {  	[dreg:$0x1] =	wrdreg $0xFFFFFFFF  }
0xc2: {  	_ =	task.clear_ibuf [dreg:s7], $0x2FFFF;
	_ =	strace $0x9FFFFFFF  }
0xc3: {  	(tm) =	ssettm $0x7FFFFFFF  }
tec
execute0_lowered:
.L_overlay_start_1:
0x0: {  	(tag) =	ssettag $0x1  }
0x1: {  	s4 =	rddreg [dreg:$0x0]  }
0x2: {  	s5 =	rddreg [dreg:$0x1]  }
0x3: {  	s2 =	rddreg [dreg:$0x2]  }
0x4: {  	s0 =	rddreg [dreg:$0x3];
	s1 =	stileid.u32  }
0x5: {  	s6 =	srdreg.scid;
	s3 =	simm.s32 $0x0;
	s12 =	simm.s32 $0x2800  }
0x6: {  	s13 =	simm.s32 $0x0;
	s7 =	smul.u32 $0x280, s1;
	s6 =	sand.u32 $0x1, s6  }
0x7: {  	[smem:$0x7FF] =	sst s3;
	s31 =	sshll.u32 s1, $0x6;
	s8 =	smul.u32 $0x2800, s6  }
0x8: {  	_ =	strace $0x80000047;
	s10 =	sshll.u32 s6, $0x4;
	s6 =	ssub.s32 $0x2, s6  }
0x9: {  	s9 =	sshrl.u32 s7, $0x3;
	s10 =	sor.u32 s1, s10;
	s11 =	sshrl.u32 s6, $0x1  }
0xa: {  	s30 =	sadd.s32 s7, s2;
	s8 =	sadd.s32 s7, s8;
	s10 =	smul.u32 $0x500, s10  }
0xb: {  	s9 =	sadd.s32 s9, s5;
	s11 =	ssub.s32 s6, s11;
	s8 =	sshrl.u32 s8, $0x3  }
0xc: {  	s7 =	smax.u32 s11, $0x1;
	s11 =	simm.s32 $0x80;
	s8 =	sadd.s32 s8, s5  }
0xd: {  	s4 =	sadd.s32 s4, s10;
	s5 =	sadd.s32 $0xB200, s9;
	s9 =	sor.u32 $0x1C01, s31  }
0xe: {  	v0 =	vimm.f32 $1.000000000e+00;
	s10 =	sshrl.u32 s30, $0x3;
	s6 =	sadd.s32 $0xB800, s8;
	s8 =	simm.s32 $0x1  }
.LBB2_1:
0xf: {  	[tilespmem:s3], [sflag:$0x1] =	stream.linear.gather [hbm4b:s4+s3], $0x2800, $0x38;
	[tilespmem:$0x2B00] =	vst v63  }
0x10: {  	_ =	swait.ge [sflag:s8], $0x2800  }
0x11: {  	[sflag:s8] =	ssyncset.done $0x0  }
0x12: {  	[sflag:s8] =	ssyncadd.s32 $0xFFFFD800  }
0x13: {  	[tilespmem:$0x2800] =	vst v0  }
0x14: {  	[tilespmem:$0x2810] =	vst v0  }
0x15: {  	[tilespmem:$0x2820] =	vst v0  }
0x16: {  	[tilespmem:$0x2830] =	vst v0  }
0x17: {  	[tilespmem:$0x2840] =	vst v0  }
0x18: {  	[tilespmem:$0x2850] =	vst v0  }
0x19: {  	[tilespmem:$0x2860] =	vst v0  }
0x1a: {  	[tilespmem:$0x2870] =	vst v0  }
0x1b: {  	[spmem:s10], [sflag:s9] =	dma.local [hbm:s5], $0x50  }
0x1c: {  	_ =	swait.ge [sflag:s8], $0x50  }
0x1d: {  	[sflag:s8] =	ssyncset.done $0x0  }
0x1e: {  	[sflag:s8] =	ssyncadd.s32 $0xFFFFFFB0  }
0x1f: {  	s14 =	simm.s32 $0x0;
	[bflag:$0x0] =	sbarrier.arrive $0xFFFF  }
0x20: {  	[spmem:s2] =	stream.indirect.scatter.add.f32 [tilespmem:s12], [sflag:$0x1], $0x1, s14, s11, $0xb8;
	[tilespmem:$0x2B00] =	vst v63  }
0x21: {  	_ =	swait.ge [sflag:s8], $0x80  }
0x22: {  	s14 =	simm.s32 $0x200;
	[sflag:s8] =	ssyncset.done $0x0  }
.LBB2_2:
0x23: {  	s15 =	sshra.s32 s14, $0x2;
	[sflag:s8] =	ssyncadd.s32 $0xFFFFFF80;
	p0 =	sne.s32 s14, $0x9E00  }
0x24: {  	[spmem:s2] =	stream.indirect.scatter.add.f32 [tilespmem:s12], [sflag:$0x1], $0x1, s15, s11, $0xb8;
	[tilespmem:$0x2B00] =	vst v63  }
.Ltmp0:
0x25: {  	_ = 	snop;
	(pc) =	sbr.rel @p0 .LBB2_2-.Ltmp0, $4  }
0x26: {  	_ = 	snop  }
0x27: {  	s14 =	sadd.s32 $0x200, s14  }
0x28: {  	_ =	swait.ge [sflag:s8], $0x80  }
0x29: {  	[sflag:s8] =	ssyncset.done $0x0  }
0x2a: {  	s13 =	sadd.s32 $0x1, s13  }
0x2b: {  	[sflag:s8] =	ssyncadd.s32 $0xFFFFFF80;
	p0 =	sne.s32 s13, s7  }
.Ltmp1:
0x2c: {  	[bflag:$0x0] =	sbarrier.arrive $0xFFFF;
	(pc) =	sbr.rel @p0 .LBB2_1-.Ltmp1, $4  }
0x2d: {  	[hbm:s6], [sflag:s9] =	dma.local [spmem:s10], $0x50  }
0x2e: {  	_ =	swait.ge [sflag:s8], $0x50  }
0x2f: {  	[sflag:s8] =	ssyncset.done $0x0  }
0x30: {  	[sflag:s8] =	ssyncadd.s32 $0xFFFFFFB0  }
0x31: {  	_ =	sfence.sel $0x180000  }
0x32: {  	[bflag:$0x0] =	sbarrier.arrive $0xFFFF  }
0x33: {  	p0 =	sne.s32 s1, $0x0;
	_ =	strace $0x90000047  }
0x34: {  	s0 =	sadd.s32 @!p0 $0x100000, s0;
	[bflag:$0x2] =	sbarrier.arrive $0xFFFF  }
0x35: {  	[sflag:s0] =	ssyncadd.tile.s32 @!p0 $0x1;
	_ =	shalt  }
.Lfunc_end2:
_tile_overlayer_lowered:
.L_overlay_start_2:
0x36: {  	(tag) =	ssettag $0x2  }
0x37: {  	s0 =	rddreg [dreg:$0x0];
	s2 =	stileid.u32  }
0x38: {  	s1 =	rddreg [dreg:$0x1];
	p0 =	sne.s32 s2, $0x0  }
0x39: {  	s3 =	rddreg [dreg:$0x2];
	[bflag:$0x3] =	sbarrier.arrive $0xFFFF;
	s2 =	simm.s32 @!p0 $0x1C01  }
0x3a: {  	[timem:s3], [sflag:s2] =	dma.local @!p0 [hbm:s0], s1  }
0x3b: {  	s0 =	simm.s32 @!p0 $0x1  }
0x3c: {  	_ =	swait.ge @!p0 [sflag:s0], s1  }
0x3d: {  	s1 =	ssub.s32 @!p0 $0x0, s1;
	[sflag:s0] =	ssyncset.done @!p0 $0x0  }
0x3e: {  	[sflag:s0] =	ssyncadd.s32 @!p0 s1  }
0x3f: {  	[bflag:$0x3] =	sbarrier.arrive $0xFFFF  }
0x40: {  	_ =	shalt  }

</sc_bundles>
